<compile_context>
chip_gen: v7x
topology: tpu7x:2x2x1
jax: 0.10.2.dev20260603
libtpu: 0.0.44.dev20260713+nightly
codegen_flags: <defaults>
</compile_context>

<pallas_src>
import functools

import jax
import jax.numpy as jnp
from jax import lax
from jax.experimental import pallas as pl
from jax.experimental.pallas import tpu as pltpu
from jax.experimental.pallas import tpu_sc as plsc

N = 20000
NV = N // 16
NLBL = 200
NCORES = 2
NSUB = 16
NW = NCORES * NSUB
LPW = 7
ML = NW * LPW
CAP = 224
K = 200
BIG = 1 << 30
NSLOT = NW * 8
NSV = NSLOT // 16

def _wid():
    return lax.axis_index("s") * NCORES + lax.axis_index("c")


def _k1_body(smin_hbm, smax_hbm, lmin_hbm, lmax_hbm, lists_hbm,
             smin_v, smax_v, lmin_v, lmax_v, list_v):
    w = _wid()
    base_l = w * LPW
    pltpu.sync_copy(smin_hbm, smin_v)
    pltpu.sync_copy(smax_hbm, smax_v)
    pltpu.sync_copy(lmin_hbm.at[pl.ds(base_l * 16, LPW * 16)], lmin_v)
    pltpu.sync_copy(lmax_hbm.at[pl.ds(base_l * 16, LPW * 16)], lmax_v)
    lanes = lax.iota(jnp.int32, 16)

    bigv = jnp.full((16,), BIG, jnp.int32)

    def initb(i, carry):
        list_v[pl.ds(i * 16, 16)] = bigv
        return carry

    lax.fori_loop(0, LPW * CAP // 16, initb, 0)
    bmin = [lmin_v[pl.ds(j * 16, 16)] for j in range(LPW)]
    bmax = [lmax_v[pl.ds(j * 16, 16)] for j in range(LPW)]
    blen = [bmax[j] - bmin[j] for j in range(LPW)]
    kcap = [jnp.full((16,), j * CAP + K - 1, jnp.int32) for j in range(LPW)]

    def body(i, offs):
        b = i * 16
        sm = smin_v[pl.ds(b, 16)]
        sx = smax_v[pl.ds(b, 16)]
        la = sx - sm
        iv = lanes + b
        new_offs = []
        for j in range(LPW):
            raw = jnp.minimum(sx, bmax[j]) - jnp.maximum(sm, bmin[j])
            m = (raw * 3.0) > (la + blen[j])
            off = offs[j]
            mstore = jnp.logical_and(m, off < kcap[j])
            mi = mstore.astype(jnp.int32)
            dest = jnp.minimum(off, kcap[j]) + plsc.cumsum(mi)
            plsc.store_scatter(list_v, [dest], iv, mask=mstore)
            new_offs.append(off + plsc.all_reduce_population_count(m))
        return tuple(new_offs)

    lax.fori_loop(
        0, NV, body,
        tuple(jnp.full((16,), j * CAP - 1, jnp.int32) for j in range(LPW)))
    pltpu.sync_copy(list_v, lists_hbm.at[pl.ds(base_l * CAP, LPW * CAP)])


def _k2_body(lists_hbm, scores_hbm, chosen_hbm, svals_hbm,
             lists_v, scores_v, taken_v, chosen_v, svals_v):
    w = _wid()

    @pl.when(w == 0)
    def _():
        pltpu.sync_copy(lists_hbm, lists_v)
        pltpu.sync_copy(scores_hbm, scores_v)
        lanes = lax.iota(jnp.int32, 16)
        zeros = jnp.zeros((16,), jnp.int32)
        ones = jnp.ones((16,), jnp.int32)
        nvec = jnp.full((16,), N, jnp.int32)

        def zbody(i, carry):
            taken_v[pl.ds(i * 16, 16)] = zeros
            return carry

        lax.fori_loop(0, NV + 1, zbody, 0)

        lane0 = lanes == 0
        s15 = jnp.full((16,), 15, jnp.int32)

        def lbody(c, carry):
            def scan_vreg(i):
                candv = lists_v[pl.ds(c * CAP + i * 16, 16)]
                csafe = jnp.minimum(candv, nvec)
                tk = plsc.load_gather(taken_v, [csafe])
                avail = jnp.logical_and(tk == 0, candv < nvec)
                f = plsc.all_reduce_ffs(avail)
                chn = candv.at[jnp.minimum(f, s15)].get(
                    mode="promise_in_bounds")
                return jnp.where(f < 16, chn, -1), candv

            chv, candv0 = scan_vreg(jnp.int32(0))
            last_real = candv0.at[s15].get(mode="promise_in_bounds") < nvec
            pred = jnp.any(jnp.logical_and(chv < 0, last_real))

            def tail():
                def body(i, ch2):
                    chn, _ = scan_vreg(i)
                    return jnp.where(ch2 >= 0, ch2, chn)
                return lax.fori_loop(1, (K + 15) // 16, body,
                                     jnp.full((16,), -1, jnp.int32))

            chv = lax.cond(pred, tail, lambda: chv)
            has = chv >= 0
            csafe = jnp.maximum(chv, 0)
            plsc.store_scatter(taken_v, [csafe], ones,
                               mask=jnp.logical_and(lane0, has))
            sv = plsc.load_gather(scores_v, [csafe])
            chosen_v[pl.ds(c * 16, 16)] = chv
            svals_v[pl.ds(c * 16, 16)] = jnp.where(has, sv, 0.0)
            return carry

        negs = jnp.full((16,), -1, jnp.int32)
        fzeros = jnp.zeros((16,), jnp.float32)

        def padb(c, carry):
            chosen_v[pl.ds(c * 16, 16)] = negs
            svals_v[pl.ds(c * 16, 16)] = fzeros
            return carry

        lax.fori_loop(NLBL, ML, padb, 0)
        lax.fori_loop(0, NLBL, lbody, 0)
        pltpu.sync_copy(chosen_v, chosen_hbm)
        pltpu.sync_copy(svals_v, svals_hbm)


def _k3_body(scores_hbm, chosen_hbm, svals_hbm, ranks_hbm,
             scores_v, ch_v, sv_v, rk_v):
    w = _wid()
    pltpu.sync_copy(scores_hbm, scores_v)
    pltpu.sync_copy(chosen_hbm.at[pl.ds(w * LPW * 16, LPW * 16)], ch_v)
    pltpu.sync_copy(svals_hbm.at[pl.ds(w * LPW * 16, LPW * 16)], sv_v)
    lanes = lax.iota(jnp.int32, 16)
    jv = [ch_v[pl.ds(j * 16, 16)] for j in range(LPW)]
    sv = [sv_v[pl.ds(j * 16, 16)] for j in range(LPW)]

    def body(i, accs):
        b = i * 16
        sc = scores_v[pl.ds(b, 16)]
        idxv = lanes + b
        return tuple(
            accs[j] + jnp.logical_or(
                sc > sv[j],
                jnp.logical_and(sc == sv[j], idxv < jv[j])
            ).astype(jnp.int32)
            for j in range(LPW))

    accs = lax.fori_loop(
        0, NV, body, tuple(jnp.zeros((16,), jnp.int32) for _ in range(LPW)))
    lane0 = lanes == 0
    for j in range(LPW + 1):
        if j < LPW:
            rank = jnp.where(jnp.max(jv[j]) >= 0, jnp.sum(accs[j]), BIG)
        else:
            rank = jnp.int32(BIG)
        plsc.store_scatter(rk_v, [jnp.full((16,), j, jnp.int32)],
                           jnp.full((16,), rank, jnp.int32), mask=lane0)
    pltpu.sync_copy(rk_v, ranks_hbm.at[pl.ds(w * 8, 8)])


def _k4_body(ranks_hbm, ap_hbm, rk_v, p_v, out_v):
    w = _wid()

    @pl.when(w == 0)
    def _():
        pltpu.sync_copy(ranks_hbm, rk_v)
        lanes = lax.iota(jnp.int32, 16)
        lane0 = lanes == 0

        neg1 = jnp.full((16,), -1.0, jnp.float32)

        def spi(i, carry):
            p_v[pl.ds(i * 16, 16)] = neg1
            return carry

        lax.fori_loop(0, NSV, spi, 0)

        def pa(c, carry):
            cv = jnp.full((16,), c, jnp.int32)
            rcv = plsc.load_gather(rk_v, [cv])

            def ib(i, acc):
                rv = rk_v[pl.ds(i * 16, 16)]
                return acc + (rv < rcv).astype(jnp.int32)

            acc = lax.fori_loop(0, NSV, ib, jnp.zeros((16,), jnp.int32))
            pos = jnp.sum(acc)
            validv = rcv < BIG
            pvec = (jnp.full((16,), pos, jnp.float32) + 1.0) / \
                   (rcv.astype(jnp.float32) + 1.0)
            posv = jnp.full((16,), pos, jnp.int32)
            plsc.store_scatter(p_v, [posv], pvec,
                               mask=jnp.logical_and(lane0, validv))
            return carry

        lax.fori_loop(0, NSLOT, pa, 0)

        def r0b(i, acc):
            rv = rk_v[pl.ds(i * 16, 16)]
            return jnp.logical_or(acc, rv == 0)

        r0v = lax.fori_loop(0, NSV, r0b, lanes != lanes)
        has_r0 = jnp.any(r0v)

        def pb(t, carry):
            runmax, ap = carry
            i = NSV - 1 - t
            v = p_v[pl.ds(i * 16, 16)]
            suf = lax.rev(plsc.cummax(lax.rev(v, dimensions=(0,))),
                          dimensions=(0,))
            tot = jnp.maximum(suf, runmax)
            ap = ap + jnp.sum(jnp.where(v >= 0.0, tot, 0.0))
            return jnp.full((16,), jnp.max(tot), jnp.float32), ap

        runmax, ap = lax.fori_loop(0, NSV, pb, (neg1, jnp.float32(0.0)))
        ap = ap - jnp.where(has_r0, jnp.max(runmax), 0.0)
        out_v[...] = jnp.full((16,), ap * jnp.float32(1.0 / NLBL),
                              jnp.float32)
        pltpu.sync_copy(out_v, ap_hbm)


@functools.lru_cache(maxsize=1)
def _build():
    mesh = plsc.VectorSubcoreMesh(
        core_axis_name="c", subcore_axis_name="s",
        num_cores=NCORES, num_subcores=NSUB)
    mesh1 = plsc.VectorSubcoreMesh(
        core_axis_name="c", subcore_axis_name="s",
        num_cores=1, num_subcores=1)
    k1 = pl.kernel(
        _k1_body, mesh=mesh,
        compiler_params=pltpu.CompilerParams(needs_layout_passes=False),
        out_type=jax.ShapeDtypeStruct((ML * CAP,), jnp.int32),
        scratch_types=[pltpu.VMEM((N,), jnp.float32),
                       pltpu.VMEM((N,), jnp.float32),
                       pltpu.VMEM((LPW * 16,), jnp.float32),
                       pltpu.VMEM((LPW * 16,), jnp.float32),
                       pltpu.VMEM((LPW * CAP,), jnp.int32)])
    k2 = pl.kernel(
        _k2_body, mesh=mesh1,
        compiler_params=pltpu.CompilerParams(needs_layout_passes=False),
        out_type=[jax.ShapeDtypeStruct((ML * 16,), jnp.int32),
                  jax.ShapeDtypeStruct((ML * 16,), jnp.float32)],
        scratch_types=[pltpu.VMEM((ML * CAP,), jnp.int32),
                       pltpu.VMEM((N,), jnp.float32),
                       pltpu.VMEM((N + 16,), jnp.int32),
                       pltpu.VMEM((ML * 16,), jnp.int32),
                       pltpu.VMEM((ML * 16,), jnp.float32)])
    k3 = pl.kernel(
        _k3_body, mesh=mesh,
        compiler_params=pltpu.CompilerParams(needs_layout_passes=False),
        out_type=jax.ShapeDtypeStruct((NSLOT,), jnp.int32),
        scratch_types=[pltpu.VMEM((N,), jnp.float32),
                       pltpu.VMEM((LPW * 16,), jnp.int32),
                       pltpu.VMEM((LPW * 16,), jnp.float32),
                       pltpu.VMEM((8,), jnp.int32)])
    k4 = pl.kernel(
        _k4_body, mesh=mesh1,
        compiler_params=pltpu.CompilerParams(needs_layout_passes=False),
        out_type=jax.ShapeDtypeStruct((16,), jnp.float32),
        scratch_types=[pltpu.VMEM((NSLOT,), jnp.int32),
                       pltpu.VMEM((NSLOT,), jnp.float32),
                       pltpu.VMEM((16,), jnp.float32)])
    return k1, k2, k3, k4


def kernel(scores, segments, labels):
    smin = segments[:, 0]
    smax = segments[:, 1]
    lmin = jnp.concatenate(
        [labels[:, 0], jnp.full((ML - NLBL,), -2.0, jnp.float32)])
    lmax = jnp.concatenate(
        [labels[:, 1], jnp.full((ML - NLBL,), -1.0, jnp.float32)])
    lmin16 = jnp.broadcast_to(lmin[:, None], (ML, 16)).reshape(ML * 16)
    lmax16 = jnp.broadcast_to(lmax[:, None], (ML, 16)).reshape(ML * 16)

    k1, k2, k3, k4 = _build()
    lists = k1(smin, smax, lmin16, lmax16)
    chosen, svals = k2(lists, scores)
    ranks = k3(scores, chosen, svals)
    ap16 = k4(ranks)
    return ap16[0]

# --- scband reference (transcript-rebuilt; emitter-appended) ---
"""Pipeline reference for scband-ap-19258633355825 (READ-ONLY COPY).

The authoritative reference and input builder live on the scoring server;
editing this copy changes nothing except your own understanding.
"""

import jax, jax.numpy as jnp
import numpy as np

N_PROPOSALS = 20000
N_LABELS = 200
IOU_THRESHOLD = 0.5


def setup_inputs(seed: int = 0) -> dict:
    key = jax.random.key(seed)
    k1, k2, k3 = jax.random.split(key, 3)
    scores = jax.random.uniform(k1, (N_PROPOSALS,), dtype=jnp.float32)
    # segments are (start, end) with start < end
    segments = jnp.sort(jax.random.uniform(k2, (N_PROPOSALS, 2), dtype=jnp.float32), axis=-1)
    labels = jnp.sort(jax.random.uniform(k3, (N_LABELS, 2), dtype=jnp.float32), axis=-1)
    return {"scores": scores, "segments": segments, "labels": labels}


def _ap_forward(scores, segments, labels):
    # proposals = cat([score.unsqueeze(-1), seg], -1)  (single video in batch)
    proposals = jnp.concatenate([scores[:, None], segments], axis=-1)
    n_labels = labels.shape[0]
    n_proposals = proposals.shape[0]

    # iou_with_anchors vectorized over all labels (same math as the per-label loop)
    anchors_min = proposals[:, 1][:, None]
    anchors_max = proposals[:, 2][:, None]
    box_min = labels[:, 0][None, :]
    box_max = labels[:, 1][None, :]
    len_anchors = anchors_max - anchors_min
    int_xmin = jnp.maximum(anchors_min, box_min)
    int_xmax = jnp.minimum(anchors_max, box_max)
    inter_len = jnp.maximum(int_xmax - int_xmin, 0.0)
    union_len = len_anchors + (box_max - box_min) - inter_len
    ious = inter_len / union_len  # [N, M]

    confidence = proposals[:, 0]
    potential_TP = ious > IOU_THRESHOLD

    # greedy matching: for each label (in order), take the first proposal index
    # with potential_TP that is not yet taken
    def step(taken, col):
        mask = jnp.logical_and(col, jnp.logical_not(taken))
        has = jnp.any(mask)
        j = jnp.argmax(mask)
        taken = taken.at[j].set(jnp.logical_or(taken[j], has))
        return taken, None

    taken0 = jnp.zeros(n_proposals, dtype=bool)
    is_TP, _ = jax.lax.scan(step, taken0, potential_TP.T)

    values = jnp.column_stack([confidence, is_TP.astype(jnp.float32)])

    # sort by confidence descending
    order = jnp.argsort(-values[:, 0])
    values = values[order]

    # calculate_curve
    is_tp = values[:, 1]
    acc_TP = jnp.cumsum(is_tp)
    precision = acc_TP / (jnp.arange(n_proposals, dtype=jnp.float32) + 1.0)
    recall = acc_TP / n_labels
    curve = jnp.stack([recall, precision]).T
    curve = jnp.concatenate([jnp.array([[1.0, 0.0]], dtype=jnp.float32), jnp.flip(curve, axis=0)], axis=0)

    # calculate_ap
    x = curve[:, 0]
    y = curve[:, 1]
    y_max = jax.lax.cummax(y, axis=0)
    x_diff = jnp.abs(jnp.diff(x))
    ap = jnp.sum(x_diff * y_max[:-1])
    return ap


def reference(scores, segments, labels):
    return _ap_forward(scores, segments, labels)

if __name__ == "__main__":
    import jax
    _d = setup_inputs()
    print(jax.jit(kernel)(*tuple(_d.values())))

</pallas_src>

<mosaic_0001>
#map = affine_map<(d0, d1) -> (0)>
module attributes {stable_mosaic.version = 14 : i64} {
  func.func @_k4_body(%arg0: i32, %arg1: i32, %arg2: memref<256xi32, #tpu.memory_space<hbm>>, %arg3: memref<16xf32, #tpu.memory_space<hbm>>, %arg4: memref<256xi32, #tpu.memory_space<vmem>>, %arg5: memref<256xf32, #tpu.memory_space<vmem>>, %arg6: memref<16xf32, #tpu.memory_space<vmem>>) attributes {dimension_semantics = [#tpu.dimension_semantics<core_parallel>, #tpu.dimension_semantics<subcore_parallel>], iteration_bounds = array<i64: 1, 1>, scalar_prefetch = 0 : i64, scratch_operands = 3 : i64, tpu.core_type = #tpu.core_type<sc_vector_subcore>, window_params = [{transform_indices = #map}, {transform_indices = #map}]} {
    %mul3A = arith.constant 2 : i32
    %mul3A_0 = arith.muli %arg1, %mul3A : i32
    %add3A = arith.addi %mul3A_0, %arg0 : i32
    %eq3A = arith.constant 0 : i32
    %eq3A_1 = arith.cmpi eq, %add3A, %eq3A : i32
    %convert_element_type3A = arith.extui %eq3A_1 : i1 to i32
    %cond3A = arith.constant 0 : i32
    %cond3A_2 = arith.cmpi ne, %convert_element_type3A, %cond3A : i32
    scf.if %cond3A_2 {
      "tpu.region"() ({
        %run_scoped3A = tpu.sem_alloc : memref<!tpu.dma_semaphore, #tpu.memory_space<semaphore_mem>>
        tpu.enqueue_dma source(%arg2 : memref<256xi32, #tpu.memory_space<hbm>>) target(%arg4 : memref<256xi32, #tpu.memory_space<vmem>>) target_semaphore(%run_scoped3A : memref<!tpu.dma_semaphore, #tpu.memory_space<semaphore_mem>>)
        tpu.wait_dma2 semaphore(%run_scoped3A : memref<!tpu.dma_semaphore, #tpu.memory_space<semaphore_mem>>) src(%arg2 : memref<256xi32, #tpu.memory_space<hbm>>) dst(%arg4 : memref<256xi32, #tpu.memory_space<vmem>>)
        tpu.yield
      }) : () -> ()
      %iota3A = tpu.iota {dimensions = array<i32: 0>} : vector<16xi32>
      %eq3A_3 = arith.constant 0 : i32
      %eq3A_4 = vector.broadcast %eq3A_3 : i32 to vector<16xi32>
      %eq3A_5 = arith.cmpi eq, %iota3A, %eq3A_4 : vector<16xi32>
      %broadcast_in_dim3A = arith.constant -1.000000e+00 : f32
      %broadcast_in_dim3A_6 = vector.broadcast %broadcast_in_dim3A : f32 to vector<16xf32>
      %scan3A = arith.constant 0 : i32
      %scan3A_7 = arith.constant 0 : i32
      %scan3A_8 = arith.constant 16 : i32
      %scan3A_9 = arith.addi %scan3A_7, %scan3A_8 : i32
      %scan3A_10 = arith.constant 1 : i32
      scf.for %scan3A_48 = %scan3A_7 to %scan3A_9 step %scan3A_10  : i32 {
        %mul3A_49 = arith.constant 16 : i32
        %mul3A_50 = arith.muli %scan3A_48, %mul3A_49 : i32
        %swap3A_51 = arith.index_cast %mul3A_50 : i32 to index
        %swap3A_52 = tpu.vector_load %arg5[%swap3A_51] {strides = array<i32>} : memref<256xf32, #tpu.memory_space<vmem>>, vector<16xf32>,
        tpu.vector_store %arg5[%swap3A_51], %broadcast_in_dim3A_6 {strides = array<i32>} : memref<256xf32, #tpu.memory_space<vmem>>, vector<16xf32>,
      }
      %scan3A_11 = arith.constant 16 : i32
      %scan3A_12 = arith.constant 0 : i32
      %scan3A_13 = arith.constant 0 : i32
      %scan3A_14 = arith.constant 256 : i32
      %scan3A_15 = arith.addi %scan3A_13, %scan3A_14 : i32
      %scan3A_16 = arith.constant 1 : i32
      scf.for %scan3A_48 = %scan3A_13 to %scan3A_15 step %scan3A_16  : i32 {
        %broadcast_in_dim3A_49 = vector.broadcast %scan3A_48 : i32 to vector<16xi32>
        %gather3A = tpu.vector_load_idx %arg4[%broadcast_in_dim3A_49] : memref<256xi32, #tpu.memory_space<vmem>>[vector<16xi32>], vector<16xi32>,
        %broadcast_in_dim3A_50 = arith.constant 0 : i32
        %broadcast_in_dim3A_51 = vector.broadcast %broadcast_in_dim3A_50 : i32 to vector<16xi32>
        %scan3A_52 = arith.constant 0 : i32
        %scan3A_53 = arith.constant 16 : i32
        %scan3A_54 = arith.addi %scan3A_52, %scan3A_53 : i32
        %scan3A_55 = arith.constant 1 : i32
        %scan3A_56 = scf.for %scan3A_73 = %scan3A_52 to %scan3A_54 step %scan3A_55 iter_args(%scan3A_74 = %broadcast_in_dim3A_51) -> (vector<16xi32>)  : i32 {
          %mul3A_75 = arith.constant 16 : i32
          %mul3A_76 = arith.muli %scan3A_73, %mul3A_75 : i32
          %get3A = arith.index_cast %mul3A_76 : i32 to index
          %get3A_77 = tpu.vector_load %arg4[%get3A] {strides = array<i32>} : memref<256xi32, #tpu.memory_space<vmem>>, vector<16xi32>,
          %lt3A_78 = arith.cmpi slt, %get3A_77, %gather3A : vector<16xi32>
          %convert_element_type3A_79 = arith.extui %lt3A_78 : vector<16xi1> to vector<16xi32>
          %add3A_80 = arith.addi %scan3A_74, %convert_element_type3A_79 : vector<16xi32>
          scf.yield %add3A_80 : vector<16xi32>
        }
        %scan3A_57 = arith.constant 16 : i32
        %reduce_sum3A = arith.constant true
        %reduce_sum3A_58 = vector.broadcast %reduce_sum3A : i1 to vector<16xi1>
        %reduce_sum3A_59 = tpu.scan <sum>, %scan3A_56 masked %reduce_sum3A_58 : vector<16xi32>, vector<16xi1> -> vector<16xi32>
        %reduce_sum3A_60 = vector.extract %reduce_sum3A_59[15] : i32 from vector<16xi32>
        %lt3A = arith.constant 1073741824 : i32
        %lt3A_61 = vector.broadcast %lt3A : i32 to vector<16xi32>
        %lt3A_62 = arith.cmpi slt, %gather3A, %lt3A_61 : vector<16xi32>
        %convert_element_type3A_63 = arith.sitofp %reduce_sum3A_60 : i32 to f32
        %broadcast_in_dim3A_64 = vector.broadcast %convert_element_type3A_63 : f32 to vector<16xf32>
        %add3A_65 = arith.constant 1.000000e+00 : f32
        %add3A_66 = vector.broadcast %add3A_65 : f32 to vector<16xf32>
        %add3A_67 = arith.addf %broadcast_in_dim3A_64, %add3A_66 : vector<16xf32>
        %convert_element_type3A_68 = arith.sitofp %gather3A : vector<16xi32> to vector<16xf32>
        %add3A_69 = arith.constant 1.000000e+00 : f32
        %add3A_70 = vector.broadcast %add3A_69 : f32 to vector<16xf32>
        %add3A_71 = arith.addf %convert_element_type3A_68, %add3A_70 : vector<16xf32>
        %div3A = arith.divf %add3A_67, %add3A_71 : vector<16xf32>
        %broadcast_in_dim3A_72 = vector.broadcast %reduce_sum3A_60 : i32 to vector<16xi32>
        %and3A = arith.andi %eq3A_5, %lt3A_62 : vector<16xi1>
        tpu.vector_store_idx %arg5[%broadcast_in_dim3A_72], %div3A masked %and3A : memref<256xf32, #tpu.memory_space<vmem>>[vector<16xi32>], vector<16xf32>, vector<16xi1>
      }
      %scan3A_17 = arith.constant 256 : i32
      %ne3A = arith.cmpi ne, %iota3A, %iota3A : vector<16xi32>
      %scan3A_18 = arith.constant 0 : i32
      %scan3A_19 = arith.constant 16 : i32
      %scan3A_20 = arith.addi %scan3A_18, %scan3A_19 : i32
      %scan3A_21 = arith.constant 1 : i32
      %scan3A_22 = scf.for %scan3A_48 = %scan3A_18 to %scan3A_20 step %scan3A_21 iter_args(%scan3A_49 = %ne3A) -> (vector<16xi1>)  : i32 {
        %mul3A_50 = arith.constant 16 : i32
        %mul3A_51 = arith.muli %scan3A_48, %mul3A_50 : i32
        %get3A = arith.index_cast %mul3A_51 : i32 to index
        %get3A_52 = tpu.vector_load %arg4[%get3A] {strides = array<i32>} : memref<256xi32, #tpu.memory_space<vmem>>, vector<16xi32>,
        %eq3A_53 = arith.constant 0 : i32
        %eq3A_54 = vector.broadcast %eq3A_53 : i32 to vector<16xi32>
        %eq3A_55 = arith.cmpi eq, %get3A_52, %eq3A_54 : vector<16xi32>
        %or3A = arith.ori %scan3A_49, %eq3A_55 : vector<16xi1>
        scf.yield %or3A : vector<16xi1>
      }
      %scan3A_23 = arith.constant 16 : i32
      %reduce_or3A = arith.constant 1.000000e+00 : f32
      %reduce_or3A_24 = arith.constant 0.000000e+00 : f32
      %reduce_or3A_25 = vector.broadcast %reduce_or3A : f32 to vector<16xf32>
      %reduce_or3A_26 = vector.broadcast %reduce_or3A_24 : f32 to vector<16xf32>
      %reduce_or3A_27 = arith.select %scan3A_22, %reduce_or3A_25, %reduce_or3A_26 : vector<16xi1>, vector<16xf32>
      %reduce_or3A_28 = arith.constant true
      %reduce_or3A_29 = vector.broadcast %reduce_or3A_28 : i1 to vector<16xi1>
      %reduce_or3A_30 = tpu.scan <max>, %reduce_or3A_27 masked %reduce_or3A_29 : vector<16xf32>, vector<16xi1> -> vector<16xf32>
      %reduce_or3A_31 = vector.extract %reduce_or3A_30[15] : f32 from vector<16xf32>
      %reduce_or3A_32 = arith.constant 0.000000e+00 : f32
      %reduce_or3A_33 = arith.cmpf ogt, %reduce_or3A_31, %reduce_or3A_32 : f32
      %scan3A_34 = arith.constant 0.000000e+00 : f32
      %scan3A_35 = arith.constant 0 : i32
      %scan3A_36 = arith.constant 16 : i32
      %scan3A_37 = arith.addi %scan3A_35, %scan3A_36 : i32
      %scan3A_38 = arith.constant 1 : i32
      %scan3A_39:2 = scf.for %scan3A_48 = %scan3A_35 to %scan3A_37 step %scan3A_38 iter_args(%scan3A_49 = %broadcast_in_dim3A_6, %scan3A_50 = %scan3A_34) -> (vector<16xf32>, f32)  : i32 {
        %sub3A_51 = arith.constant 15 : i32
        %sub3A_52 = arith.subi %sub3A_51, %scan3A_48 : i32
        %mul3A_53 = arith.constant 16 : i32
        %mul3A_54 = arith.muli %sub3A_52, %mul3A_53 : i32
        %get3A = arith.index_cast %mul3A_54 : i32 to index
        %get3A_55 = tpu.vector_load %arg5[%get3A] {strides = array<i32>} : memref<256xf32, #tpu.memory_space<vmem>>, vector<16xf32>,
        %rev3A = arith.constant 15 : i32
        %rev3A_56 = vector.broadcast %rev3A : i32 to vector<16xi32>
        %rev3A_57 = tpu.iota {dimensions = array<i32: 0>} : vector<16xi32>
        %rev3A_58 = arith.subi %rev3A_56, %rev3A_57 : vector<16xi32>
        %rev3A_59 = tpu.dynamic_gather %get3A_55[%rev3A_58] in [0] : vector<16xf32>, vector<16xi32> -> vector<16xf32>
        %broadcast_in_dim3A_60 = arith.constant true
        %broadcast_in_dim3A_61 = vector.broadcast %broadcast_in_dim3A_60 : i1 to vector<16xi1>
        %masked_cummax3A = tpu.scan <max>, %rev3A_59 masked %broadcast_in_dim3A_61 : vector<16xf32>, vector<16xi1> -> vector<16xf32>
        %rev3A_62 = arith.constant 15 : i32
        %rev3A_63 = vector.broadcast %rev3A_62 : i32 to vector<16xi32>
        %rev3A_64 = tpu.iota {dimensions = array<i32: 0>} : vector<16xi32>
        %rev3A_65 = arith.subi %rev3A_63, %rev3A_64 : vector<16xi32>
        %rev3A_66 = tpu.dynamic_gather %masked_cummax3A[%rev3A_65] in [0] : vector<16xf32>, vector<16xi32> -> vector<16xf32>
        %max3A = arith.maximumf %rev3A_66, %scan3A_49 : vector<16xf32>
        %ge3A = arith.constant 0.000000e+00 : f32
        %ge3A_67 = vector.broadcast %ge3A : f32 to vector<16xf32>
        %ge3A_68 = arith.cmpf oge, %get3A_55, %ge3A_67 : vector<16xf32>
        %jit3A_69 = arith.constant 0.000000e+00 : f32
        %broadcast_in_dim3A_70 = vector.broadcast %jit3A_69 : f32 to vector<16xf32>
        %select_n3A_71 = arith.select %ge3A_68, %max3A, %broadcast_in_dim3A_70 : vector<16xi1>, vector<16xf32>
        %reduce_sum3A = arith.constant true
        %reduce_sum3A_72 = vector.broadcast %reduce_sum3A : i1 to vector<16xi1>
        %reduce_sum3A_73 = tpu.scan <sum>, %select_n3A_71 masked %reduce_sum3A_72 : vector<16xf32>, vector<16xi1> -> vector<16xf32>
        %reduce_sum3A_74 = vector.extract %reduce_sum3A_73[15] : f32 from vector<16xf32>
        %add3A_75 = arith.addf %scan3A_50, %reduce_sum3A_74 : f32
        %reduce_max3A_76 = arith.constant true
        %reduce_max3A_77 = vector.broadcast %reduce_max3A_76 : i1 to vector<16xi1>
        %reduce_max3A_78 = tpu.scan <max>, %max3A masked %reduce_max3A_77 : vector<16xf32>, vector<16xi1> -> vector<16xf32>
        %reduce_max3A_79 = vector.extract %reduce_max3A_78[15] : f32 from vector<16xf32>
        %broadcast_in_dim3A_80 = vector.broadcast %reduce_max3A_79 : f32 to vector<16xf32>
        scf.yield %broadcast_in_dim3A_80, %add3A_75 : vector<16xf32>, f32
      }
      %scan3A_40 = arith.constant 16 : i32
      %reduce_max3A = arith.constant true
      %reduce_max3A_41 = vector.broadcast %reduce_max3A : i1 to vector<16xi1>
      %reduce_max3A_42 = tpu.scan <max>, %scan3A_39#0 masked %reduce_max3A_41 : vector<16xf32>, vector<16xi1> -> vector<16xf32>
      %reduce_max3A_43 = vector.extract %reduce_max3A_42[15] : f32 from vector<16xf32>
      %jit3A = arith.constant 0.000000e+00 : f32
      %select_n3A = arith.select %reduce_or3A_33, %reduce_max3A_43, %jit3A : f32
      %sub3A = arith.subf %scan3A_39#1, %select_n3A : f32
      %mul3A_44 = arith.constant 5.000000e-03 : f32
      %mul3A_45 = arith.mulf %sub3A, %mul3A_44 : f32
      %broadcast_in_dim3A_46 = vector.broadcast %mul3A_45 : f32 to vector<16xf32>
      %swap3A = arith.constant 0 : index
      %swap3A_47 = tpu.vector_load %arg6[%swap3A] {strides = array<i32>} : memref<16xf32, #tpu.memory_space<vmem>>, vector<16xf32>,
      tpu.vector_store %arg6[%swap3A], %broadcast_in_dim3A_46 {strides = array<i32>} : memref<16xf32, #tpu.memory_space<vmem>>, vector<16xf32>,
      "tpu.region"() ({
        %run_scoped3A = tpu.sem_alloc : memref<!tpu.dma_semaphore, #tpu.memory_space<semaphore_mem>>
        tpu.enqueue_dma source(%arg6 : memref<16xf32, #tpu.memory_space<vmem>>) target(%arg3 : memref<16xf32, #tpu.memory_space<hbm>>) target_semaphore(%run_scoped3A : memref<!tpu.dma_semaphore, #tpu.memory_space<semaphore_mem>>)
        tpu.wait_dma2 semaphore(%run_scoped3A : memref<!tpu.dma_semaphore, #tpu.memory_space<semaphore_mem>>) src(%arg6 : memref<16xf32, #tpu.memory_space<vmem>>) dst(%arg3 : memref<16xf32, #tpu.memory_space<hbm>>)
        tpu.yield
      }) : () -> ()
    } else {
    }
    return
  }
}

#map = affine_map<(d0, d1) -> (0)>
module attributes {stable_mosaic.version = 14 : i64} {
  func.func @_k1_body(%arg0: i32, %arg1: i32, %arg2: memref<20000xf32, #tpu.memory_space<hbm>>, %arg3: memref<20000xf32, #tpu.memory_space<hbm>>, %arg4: memref<3584xf32, #tpu.memory_space<hbm>>, %arg5: memref<3584xf32, #tpu.memory_space<hbm>>, %arg6: memref<50176xi32, #tpu.memory_space<hbm>>, %arg7: memref<20000xf32, #tpu.memory_space<vmem>>, %arg8: memref<20000xf32, #tpu.memory_space<vmem>>, %arg9: memref<112xf32, #tpu.memory_space<vmem>>, %arg10: memref<112xf32, #tpu.memory_space<vmem>>, %arg11: memref<1568xi32, #tpu.memory_space<vmem>>) attributes {dimension_semantics = [#tpu.dimension_semantics<core_parallel>, #tpu.dimension_semantics<subcore_parallel>], iteration_bounds = array<i64: 2, 16>, scalar_prefetch = 0 : i64, scratch_operands = 5 : i64, tpu.core_type = #tpu.core_type<sc_vector_subcore>, window_params = [{transform_indices = #map}, {transform_indices = #map}, {transform_indices = #map}, {transform_indices = #map}, {transform_indices = #map}]} {
    %mul3A = arith.constant 2 : i32
    %mul3A_0 = arith.muli %arg1, %mul3A : i32
    %add3A = arith.addi %mul3A_0, %arg0 : i32
    %mul3A_1 = arith.constant 7 : i32
    %mul3A_2 = arith.muli %add3A, %mul3A_1 : i32
    "tpu.region"() ({
      %run_scoped3A = tpu.sem_alloc : memref<!tpu.dma_semaphore, #tpu.memory_space<semaphore_mem>>
      tpu.enqueue_dma source(%arg2 : memref<20000xf32, #tpu.memory_space<hbm>>) target(%arg7 : memref<20000xf32, #tpu.memory_space<vmem>>) target_semaphore(%run_scoped3A : memref<!tpu.dma_semaphore, #tpu.memory_space<semaphore_mem>>)
      tpu.wait_dma2 semaphore(%run_scoped3A : memref<!tpu.dma_semaphore, #tpu.memory_space<semaphore_mem>>) src(%arg2 : memref<20000xf32, #tpu.memory_space<hbm>>) dst(%arg7 : memref<20000xf32, #tpu.memory_space<vmem>>)
      tpu.yield
    }) : () -> ()
    "tpu.region"() ({
      %run_scoped3A = tpu.sem_alloc : memref<!tpu.dma_semaphore, #tpu.memory_space<semaphore_mem>>
      tpu.enqueue_dma source(%arg3 : memref<20000xf32, #tpu.memory_space<hbm>>) target(%arg8 : memref<20000xf32, #tpu.memory_space<vmem>>) target_semaphore(%run_scoped3A : memref<!tpu.dma_semaphore, #tpu.memory_space<semaphore_mem>>)
      tpu.wait_dma2 semaphore(%run_scoped3A : memref<!tpu.dma_semaphore, #tpu.memory_space<semaphore_mem>>) src(%arg3 : memref<20000xf32, #tpu.memory_space<hbm>>) dst(%arg8 : memref<20000xf32, #tpu.memory_space<vmem>>)
      tpu.yield
    }) : () -> ()
    %mul3A_3 = arith.constant 16 : i32
    %mul3A_4 = arith.muli %mul3A_2, %mul3A_3 : i32
    "tpu.region"() ({
      %run_scoped3A = tpu.sem_alloc : memref<!tpu.dma_semaphore, #tpu.memory_space<semaphore_mem>>
      %dma_start3A = tpu.memref_slice %arg4[%mul3A_4] : memref<3584xf32, #tpu.memory_space<hbm>> -> memref<112xf32, #tpu.memory_space<hbm>>
      %dma_start3A_82 = tpu.memref_slice %arg4[%mul3A_4] : memref<3584xf32, #tpu.memory_space<hbm>> -> memref<112xf32, #tpu.memory_space<hbm>>
      tpu.enqueue_dma source(%dma_start3A_82 : memref<112xf32, #tpu.memory_space<hbm>>) target(%arg9 : memref<112xf32, #tpu.memory_space<vmem>>) target_semaphore(%run_scoped3A : memref<!tpu.dma_semaphore, #tpu.memory_space<semaphore_mem>>)
      %dma_wait3A = tpu.memref_slice %arg4[%mul3A_4] : memref<3584xf32, #tpu.memory_space<hbm>> -> memref<112xf32, #tpu.memory_space<hbm>>
      %dma_wait3A_83 = tpu.memref_slice %arg4[%mul3A_4] : memref<3584xf32, #tpu.memory_space<hbm>> -> memref<112xf32, #tpu.memory_space<hbm>>
      tpu.wait_dma2 semaphore(%run_scoped3A : memref<!tpu.dma_semaphore, #tpu.memory_space<semaphore_mem>>) src(%dma_wait3A_83 : memref<112xf32, #tpu.memory_space<hbm>>) dst(%arg9 : memref<112xf32, #tpu.memory_space<vmem>>)
      tpu.yield
    }) : () -> ()
    %mul3A_5 = arith.constant 16 : i32
    %mul3A_6 = arith.muli %mul3A_2, %mul3A_5 : i32
    "tpu.region"() ({
      %run_scoped3A = tpu.sem_alloc : memref<!tpu.dma_semaphore, #tpu.memory_space<semaphore_mem>>
      %dma_start3A = tpu.memref_slice %arg5[%mul3A_6] : memref<3584xf32, #tpu.memory_space<hbm>> -> memref<112xf32, #tpu.memory_space<hbm>>
      %dma_start3A_82 = tpu.memref_slice %arg5[%mul3A_6] : memref<3584xf32, #tpu.memory_space<hbm>> -> memref<112xf32, #tpu.memory_space<hbm>>
      tpu.enqueue_dma source(%dma_start3A_82 : memref<112xf32, #tpu.memory_space<hbm>>) target(%arg10 : memref<112xf32, #tpu.memory_space<vmem>>) target_semaphore(%run_scoped3A : memref<!tpu.dma_semaphore, #tpu.memory_space<semaphore_mem>>)
      %dma_wait3A = tpu.memref_slice %arg5[%mul3A_6] : memref<3584xf32, #tpu.memory_space<hbm>> -> memref<112xf32, #tpu.memory_space<hbm>>
      %dma_wait3A_83 = tpu.memref_slice %arg5[%mul3A_6] : memref<3584xf32, #tpu.memory_space<hbm>> -> memref<112xf32, #tpu.memory_space<hbm>>
      tpu.wait_dma2 semaphore(%run_scoped3A : memref<!tpu.dma_semaphore, #tpu.memory_space<semaphore_mem>>) src(%dma_wait3A_83 : memref<112xf32, #tpu.memory_space<hbm>>) dst(%arg10 : memref<112xf32, #tpu.memory_space<vmem>>)
      tpu.yield
    }) : () -> ()
    %iota3A = tpu.iota {dimensions = array<i32: 0>} : vector<16xi32>
    %broadcast_in_dim3A = arith.constant 1073741824 : i32
    %broadcast_in_dim3A_7 = vector.broadcast %broadcast_in_dim3A : i32 to vector<16xi32>
    %scan3A = arith.constant 0 : i32
    %scan3A_8 = arith.constant 0 : i32
    %scan3A_9 = arith.constant 98 : i32
    %scan3A_10 = arith.addi %scan3A_8, %scan3A_9 : i32
    %scan3A_11 = arith.constant 1 : i32
    scf.for %scan3A_82 = %scan3A_8 to %scan3A_10 step %scan3A_11  : i32 {
      %mul3A_83 = arith.constant 16 : i32
      %mul3A_84 = arith.muli %scan3A_82, %mul3A_83 : i32
      %swap3A = arith.index_cast %mul3A_84 : i32 to index
      %swap3A_85 = tpu.vector_load %arg11[%swap3A] {strides = array<i32>} : memref<1568xi32, #tpu.memory_space<vmem>>, vector<16xi32>,
      tpu.vector_store %arg11[%swap3A], %broadcast_in_dim3A_7 {strides = array<i32>} : memref<1568xi32, #tpu.memory_space<vmem>>, vector<16xi32>,
    }
    %scan3A_12 = arith.constant 98 : i32
    %get3A = arith.constant 0 : index
    %get3A_13 = tpu.vector_load %arg9[%get3A] {strides = array<i32>} : memref<112xf32, #tpu.memory_space<vmem>>, vector<16xf32>,
    %get3A_14 = arith.constant 16 : index
    %get3A_15 = tpu.vector_load %arg9[%get3A_14] {strides = array<i32>} : memref<112xf32, #tpu.memory_space<vmem>>, vector<16xf32>,
    %get3A_16 = arith.constant 32 : index
    %get3A_17 = tpu.vector_load %arg9[%get3A_16] {strides = array<i32>} : memref<112xf32, #tpu.memory_space<vmem>>, vector<16xf32>,
    %get3A_18 = arith.constant 48 : index
    %get3A_19 = tpu.vector_load %arg9[%get3A_18] {strides = array<i32>} : memref<112xf32, #tpu.memory_space<vmem>>, vector<16xf32>,
    %get3A_20 = arith.constant 64 : index
    %get3A_21 = tpu.vector_load %arg9[%get3A_20] {strides = array<i32>} : memref<112xf32, #tpu.memory_space<vmem>>, vector<16xf32>,
    %get3A_22 = arith.constant 80 : index
    %get3A_23 = tpu.vector_load %arg9[%get3A_22] {strides = array<i32>} : memref<112xf32, #tpu.memory_space<vmem>>, vector<16xf32>,
    %get3A_24 = arith.constant 96 : index
    %get3A_25 = tpu.vector_load %arg9[%get3A_24] {strides = array<i32>} : memref<112xf32, #tpu.memory_space<vmem>>, vector<16xf32>,
    %get3A_26 = arith.constant 0 : index
    %get3A_27 = tpu.vector_load %arg10[%get3A_26] {strides = array<i32>} : memref<112xf32, #tpu.memory_space<vmem>>, vector<16xf32>,
    %get3A_28 = arith.constant 16 : index
    %get3A_29 = tpu.vector_load %arg10[%get3A_28] {strides = array<i32>} : memref<112xf32, #tpu.memory_space<vmem>>, vector<16xf32>,
    %get3A_30 = arith.constant 32 : index
    %get3A_31 = tpu.vector_load %arg10[%get3A_30] {strides = array<i32>} : memref<112xf32, #tpu.memory_space<vmem>>, vector<16xf32>,
    %get3A_32 = arith.constant 48 : index
    %get3A_33 = tpu.vector_load %arg10[%get3A_32] {strides = array<i32>} : memref<112xf32, #tpu.memory_space<vmem>>, vector<16xf32>,
    %get3A_34 = arith.constant 64 : index
    %get3A_35 = tpu.vector_load %arg10[%get3A_34] {strides = array<i32>} : memref<112xf32, #tpu.memory_space<vmem>>, vector<16xf32>,
    %get3A_36 = arith.constant 80 : index
    %get3A_37 = tpu.vector_load %arg10[%get3A_36] {strides = array<i32>} : memref<112xf32, #tpu.memory_space<vmem>>, vector<16xf32>,
    %get3A_38 = arith.constant 96 : index
    %get3A_39 = tpu.vector_load %arg10[%get3A_38] {strides = array<i32>} : memref<112xf32, #tpu.memory_space<vmem>>, vector<16xf32>,
    %sub3A = arith.subf %get3A_27, %get3A_13 : vector<16xf32>
    %sub3A_40 = arith.subf %get3A_29, %get3A_15 : vector<16xf32>
    %sub3A_41 = arith.subf %get3A_31, %get3A_17 : vector<16xf32>
    %sub3A_42 = arith.subf %get3A_33, %get3A_19 : vector<16xf32>
    %sub3A_43 = arith.subf %get3A_35, %get3A_21 : vector<16xf32>
    %sub3A_44 = arith.subf %get3A_37, %get3A_23 : vector<16xf32>
    %sub3A_45 = arith.subf %get3A_39, %get3A_25 : vector<16xf32>
    %broadcast_in_dim3A_46 = arith.constant 199 : i32
    %broadcast_in_dim3A_47 = vector.broadcast %broadcast_in_dim3A_46 : i32 to vector<16xi32>
    %broadcast_in_dim3A_48 = arith.constant 423 : i32
    %broadcast_in_dim3A_49 = vector.broadcast %broadcast_in_dim3A_48 : i32 to vector<16xi32>
    %broadcast_in_dim3A_50 = arith.constant 647 : i32
    %broadcast_in_dim3A_51 = vector.broadcast %broadcast_in_dim3A_50 : i32 to vector<16xi32>
    %broadcast_in_dim3A_52 = arith.constant 871 : i32
    %broadcast_in_dim3A_53 = vector.broadcast %broadcast_in_dim3A_52 : i32 to vector<16xi32>
    %broadcast_in_dim3A_54 = arith.constant 1095 : i32
    %broadcast_in_dim3A_55 = vector.broadcast %broadcast_in_dim3A_54 : i32 to vector<16xi32>
    %broadcast_in_dim3A_56 = arith.constant 1319 : i32
    %broadcast_in_dim3A_57 = vector.broadcast %broadcast_in_dim3A_56 : i32 to vector<16xi32>
    %broadcast_in_dim3A_58 = arith.constant 1543 : i32
    %broadcast_in_dim3A_59 = vector.broadcast %broadcast_in_dim3A_58 : i32 to vector<16xi32>
    %broadcast_in_dim3A_60 = arith.constant -1 : i32
    %broadcast_in_dim3A_61 = vector.broadcast %broadcast_in_dim3A_60 : i32 to vector<16xi32>
    %broadcast_in_dim3A_62 = arith.constant 223 : i32
    %broadcast_in_dim3A_63 = vector.broadcast %broadcast_in_dim3A_62 : i32 to vector<16xi32>
    %broadcast_in_dim3A_64 = arith.constant 447 : i32
    %broadcast_in_dim3A_65 = vector.broadcast %broadcast_in_dim3A_64 : i32 to vector<16xi32>
    %broadcast_in_dim3A_66 = arith.constant 671 : i32
    %broadcast_in_dim3A_67 = vector.broadcast %broadcast_in_dim3A_66 : i32 to vector<16xi32>
    %broadcast_in_dim3A_68 = arith.constant 895 : i32
    %broadcast_in_dim3A_69 = vector.broadcast %broadcast_in_dim3A_68 : i32 to vector<16xi32>
    %broadcast_in_dim3A_70 = arith.constant 1119 : i32
    %broadcast_in_dim3A_71 = vector.broadcast %broadcast_in_dim3A_70 : i32 to vector<16xi32>
    %broadcast_in_dim3A_72 = arith.constant 1343 : i32
    %broadcast_in_dim3A_73 = vector.broadcast %broadcast_in_dim3A_72 : i32 to vector<16xi32>
    %scan3A_74 = arith.constant 0 : i32
    %scan3A_75 = arith.constant 1250 : i32
    %scan3A_76 = arith.addi %scan3A_74, %scan3A_75 : i32
    %scan3A_77 = arith.constant 1 : i32
    %scan3A_78:7 = scf.for %scan3A_82 = %scan3A_74 to %scan3A_76 step %scan3A_77 iter_args(%scan3A_83 = %broadcast_in_dim3A_61, %scan3A_84 = %broadcast_in_dim3A_63, %scan3A_85 = %broadcast_in_dim3A_65, %scan3A_86 = %broadcast_in_dim3A_67, %scan3A_87 = %broadcast_in_dim3A_69, %scan3A_88 = %broadcast_in_dim3A_71, %scan3A_89 = %broadcast_in_dim3A_73) -> (vector<16xi32>, vector<16xi32>, vector<16xi32>, vector<16xi32>, vector<16xi32>, vector<16xi32>, vector<16xi32>)  : i32 {
      %mul3A_90 = arith.constant 16 : i32
      %mul3A_91 = arith.muli %scan3A_82, %mul3A_90 : i32
      %get3A_92 = arith.index_cast %mul3A_91 : i32 to index
      %get3A_93 = tpu.vector_load %arg7[%get3A_92] {strides = array<i32>} : memref<20000xf32, #tpu.memory_space<vmem>>, vector<16xf32>,
      %get3A_94 = arith.index_cast %mul3A_91 : i32 to index
      %get3A_95 = tpu.vector_load %arg8[%get3A_94] {strides = array<i32>} : memref<20000xf32, #tpu.memory_space<vmem>>, vector<16xf32>,
      %sub3A_96 = arith.subf %get3A_95, %get3A_93 : vector<16xf32>
      %add3A_97 = vector.broadcast %mul3A_91 : i32 to vector<16xi32>
      %add3A_98 = arith.addi %iota3A, %add3A_97 : vector<16xi32>
      %min3A = arith.minimumf %get3A_95, %get3A_27 : vector<16xf32>
      %max3A = arith.maximumf %get3A_93, %get3A_13 : vector<16xf32>
      %sub3A_99 = arith.subf %min3A, %max3A : vector<16xf32>
      %mul3A_100 = arith.constant 3.000000e+00 : f32
      %mul3A_101 = vector.broadcast %mul3A_100 : f32 to vector<16xf32>
      %mul3A_102 = arith.mulf %sub3A_99, %mul3A_101 : vector<16xf32>
      %add3A_103 = arith.addf %sub3A_96, %sub3A : vector<16xf32>
      %gt3A = arith.cmpf ogt, %mul3A_102, %add3A_103 : vector<16xf32>
      %lt3A = arith.cmpi slt, %scan3A_83, %broadcast_in_dim3A_47 : vector<16xi32>
      %and3A = arith.andi %gt3A, %lt3A : vector<16xi1>
      %convert_element_type3A = arith.extui %and3A : vector<16xi1> to vector<16xi32>
      %min3A_104 = arith.minsi %scan3A_83, %broadcast_in_dim3A_47 : vector<16xi32>
      %broadcast_in_dim3A_105 = arith.constant true
      %broadcast_in_dim3A_106 = vector.broadcast %broadcast_in_dim3A_105 : i1 to vector<16xi1>
      %masked_cumsum3A = tpu.scan <sum>, %convert_element_type3A masked %broadcast_in_dim3A_106 : vector<16xi32>, vector<16xi1> -> vector<16xi32>
      %add3A_107 = arith.addi %min3A_104, %masked_cumsum3A : vector<16xi32>
      tpu.vector_store_idx %arg11[%add3A_107], %add3A_98 masked %and3A : memref<1568xi32, #tpu.memory_space<vmem>>[vector<16xi32>], vector<16xi32>, vector<16xi1>
      %all_reduce_population_count3A = tpu.all_reduce %gt3A {dim = 0 : i64, kind = #tpu.reduction_kind<sum>} : vector<16xi1> -> vector<16xi32>
      %add3A_108 = arith.addi %scan3A_83, %all_reduce_population_count3A : vector<16xi32>
      %min3A_109 = arith.minimumf %get3A_95, %get3A_29 : vector<16xf32>
      %max3A_110 = arith.maximumf %get3A_93, %get3A_15 : vector<16xf32>
      %sub3A_111 = arith.subf %min3A_109, %max3A_110 : vector<16xf32>
      %mul3A_112 = arith.constant 3.000000e+00 : f32
      %mul3A_113 = vector.broadcast %mul3A_112 : f32 to vector<16xf32>
      %mul3A_114 = arith.mulf %sub3A_111, %mul3A_113 : vector<16xf32>
      %add3A_115 = arith.addf %sub3A_96, %sub3A_40 : vector<16xf32>
      %gt3A_116 = arith.cmpf ogt, %mul3A_114, %add3A_115 : vector<16xf32>
      %lt3A_117 = arith.cmpi slt, %scan3A_84, %broadcast_in_dim3A_49 : vector<16xi32>
      %and3A_118 = arith.andi %gt3A_116, %lt3A_117 : vector<16xi1>
      %convert_element_type3A_119 = arith.extui %and3A_118 : vector<16xi1> to vector<16xi32>
      %min3A_120 = arith.minsi %scan3A_84, %broadcast_in_dim3A_49 : vector<16xi32>
      %broadcast_in_dim3A_121 = arith.constant true
      %broadcast_in_dim3A_122 = vector.broadcast %broadcast_in_dim3A_121 : i1 to vector<16xi1>
      %masked_cumsum3A_123 = tpu.scan <sum>, %convert_element_type3A_119 masked %broadcast_in_dim3A_122 : vector<16xi32>, vector<16xi1> -> vector<16xi32>
      %add3A_124 = arith.addi %min3A_120, %masked_cumsum3A_123 : vector<16xi32>
      tpu.vector_store_idx %arg11[%add3A_124], %add3A_98 masked %and3A_118 : memref<1568xi32, #tpu.memory_space<vmem>>[vector<16xi32>], vector<16xi32>, vector<16xi1>
      %all_reduce_population_count3A_125 = tpu.all_reduce %gt3A_116 {dim = 0 : i64, kind = #tpu.reduction_kind<sum>} : vector<16xi1> -> vector<16xi32>
      %add3A_126 = arith.addi %scan3A_84, %all_reduce_population_count3A_125 : vector<16xi32>
      %min3A_127 = arith.minimumf %get3A_95, %get3A_31 : vector<16xf32>
      %max3A_128 = arith.maximumf %get3A_93, %get3A_17 : vector<16xf32>
      %sub3A_129 = arith.subf %min3A_127, %max3A_128 : vector<16xf32>
      %mul3A_130 = arith.constant 3.000000e+00 : f32
      %mul3A_131 = vector.broadcast %mul3A_130 : f32 to vector<16xf32>
      %mul3A_132 = arith.mulf %sub3A_129, %mul3A_131 : vector<16xf32>
      %add3A_133 = arith.addf %sub3A_96, %sub3A_41 : vector<16xf32>
      %gt3A_134 = arith.cmpf ogt, %mul3A_132, %add3A_133 : vector<16xf32>
      %lt3A_135 = arith.cmpi slt, %scan3A_85, %broadcast_in_dim3A_51 : vector<16xi32>
      %and3A_136 = arith.andi %gt3A_134, %lt3A_135 : vector<16xi1>
      %convert_element_type3A_137 = arith.extui %and3A_136 : vector<16xi1> to vector<16xi32>
      %min3A_138 = arith.minsi %scan3A_85, %broadcast_in_dim3A_51 : vector<16xi32>
      %broadcast_in_dim3A_139 = arith.constant true
      %broadcast_in_dim3A_140 = vector.broadcast %broadcast_in_dim3A_139 : i1 to vector<16xi1>
      %masked_cumsum3A_141 = tpu.scan <sum>, %convert_element_type3A_137 masked %broadcast_in_dim3A_140 : vector<16xi32>, vector<16xi1> -> vector<16xi32>
      %add3A_142 = arith.addi %min3A_138, %masked_cumsum3A_141 : vector<16xi32>
      tpu.vector_store_idx %arg11[%add3A_142], %add3A_98 masked %and3A_136 : memref<1568xi32, #tpu.memory_space<vmem>>[vector<16xi32>], vector<16xi32>, vector<16xi1>
      %all_reduce_population_count3A_143 = tpu.all_reduce %gt3A_134 {dim = 0 : i64, kind = #tpu.reduction_kind<sum>} : vector<16xi1> -> vector<16xi32>
      %add3A_144 = arith.addi %scan3A_85, %all_reduce_population_count3A_143 : vector<16xi32>
      %min3A_145 = arith.minimumf %get3A_95, %get3A_33 : vector<16xf32>
      %max3A_146 = arith.maximumf %get3A_93, %get3A_19 : vector<16xf32>
      %sub3A_147 = arith.subf %min3A_145, %max3A_146 : vector<16xf32>
      %mul3A_148 = arith.constant 3.000000e+00 : f32
      %mul3A_149 = vector.broadcast %mul3A_148 : f32 to vector<16xf32>
      %mul3A_150 = arith.mulf %sub3A_147, %mul3A_149 : vector<16xf32>
      %add3A_151 = arith.addf %sub3A_96, %sub3A_42 : vector<16xf32>
      %gt3A_152 = arith.cmpf ogt, %mul3A_150, %add3A_151 : vector<16xf32>
      %lt3A_153 = arith.cmpi slt, %scan3A_86, %broadcast_in_dim3A_53 : vector<16xi32>
      %and3A_154 = arith.andi %gt3A_152, %lt3A_153 : vector<16xi1>
      %convert_element_type3A_155 = arith.extui %and3A_154 : vector<16xi1> to vector<16xi32>
      %min3A_156 = arith.minsi %scan3A_86, %broadcast_in_dim3A_53 : vector<16xi32>
      %broadcast_in_dim3A_157 = arith.constant true
      %broadcast_in_dim3A_158 = vector.broadcast %broadcast_in_dim3A_157 : i1 to vector<16xi1>
      %masked_cumsum3A_159 = tpu.scan <sum>, %convert_element_type3A_155 masked %broadcast_in_dim3A_158 : vector<16xi32>, vector<16xi1> -> vector<16xi32>
      %add3A_160 = arith.addi %min3A_156, %masked_cumsum3A_159 : vector<16xi32>
      tpu.vector_store_idx %arg11[%add3A_160], %add3A_98 masked %and3A_154 : memref<1568xi32, #tpu.memory_space<vmem>>[vector<16xi32>], vector<16xi32>, vector<16xi1>
      %all_reduce_population_count3A_161 = tpu.all_reduce %gt3A_152 {dim = 0 : i64, kind = #tpu.reduction_kind<sum>} : vector<16xi1> -> vector<16xi32>
      %add3A_162 = arith.addi %scan3A_86, %all_reduce_population_count3A_161 : vector<16xi32>
      %min3A_163 = arith.minimumf %get3A_95, %get3A_35 : vector<16xf32>
      %max3A_164 = arith.maximumf %get3A_93, %get3A_21 : vector<16xf32>
      %sub3A_165 = arith.subf %min3A_163, %max3A_164 : vector<16xf32>
      %mul3A_166 = arith.constant 3.000000e+00 : f32
      %mul3A_167 = vector.broadcast %mul3A_166 : f32 to vector<16xf32>
      %mul3A_168 = arith.mulf %sub3A_165, %mul3A_167 : vector<16xf32>
      %add3A_169 = arith.addf %sub3A_96, %sub3A_43 : vector<16xf32>
      %gt3A_170 = arith.cmpf ogt, %mul3A_168, %add3A_169 : vector<16xf32>
      %lt3A_171 = arith.cmpi slt, %scan3A_87, %broadcast_in_dim3A_55 : vector<16xi32>
      %and3A_172 = arith.andi %gt3A_170, %lt3A_171 : vector<16xi1>
      %convert_element_type3A_173 = arith.extui %and3A_172 : vector<16xi1> to vector<16xi32>
      %min3A_174 = arith.minsi %scan3A_87, %broadcast_in_dim3A_55 : vector<16xi32>
      %broadcast_in_dim3A_175 = arith.constant true
      %broadcast_in_dim3A_176 = vector.broadcast %broadcast_in_dim3A_175 : i1 to vector<16xi1>
      %masked_cumsum3A_177 = tpu.scan <sum>, %convert_element_type3A_173 masked %broadcast_in_dim3A_176 : vector<16xi32>, vector<16xi1> -> vector<16xi32>
      %add3A_178 = arith.addi %min3A_174, %masked_cumsum3A_177 : vector<16xi32>
      tpu.vector_store_idx %arg11[%add3A_178], %add3A_98 masked %and3A_172 : memref<1568xi32, #tpu.memory_space<vmem>>[vector<16xi32>], vector<16xi32>, vector<16xi1>
      %all_reduce_population_count3A_179 = tpu.all_reduce %gt3A_170 {dim = 0 : i64, kind = #tpu.reduction_kind<sum>} : vector<16xi1> -> vector<16xi32>
      %add3A_180 = arith.addi %scan3A_87, %all_reduce_population_count3A_179 : vector<16xi32>
      %min3A_181 = arith.minimumf %get3A_95, %get3A_37 : vector<16xf32>
      %max3A_182 = arith.maximumf %get3A_93, %get3A_23 : vector<16xf32>
      %sub3A_183 = arith.subf %min3A_181, %max3A_182 : vector<16xf32>
      %mul3A_184 = arith.constant 3.000000e+00 : f32
      %mul3A_185 = vector.broadcast %mul3A_184 : f32 to vector<16xf32>
      %mul3A_186 = arith.mulf %sub3A_183, %mul3A_185 : vector<16xf32>
      %add3A_187 = arith.addf %sub3A_96, %sub3A_44 : vector<16xf32>
      %gt3A_188 = arith.cmpf ogt, %mul3A_186, %add3A_187 : vector<16xf32>
      %lt3A_189 = arith.cmpi slt, %scan3A_88, %broadcast_in_dim3A_57 : vector<16xi32>
      %and3A_190 = arith.andi %gt3A_188, %lt3A_189 : vector<16xi1>
      %convert_element_type3A_191 = arith.extui %and3A_190 : vector<16xi1> to vector<16xi32>
      %min3A_192 = arith.minsi %scan3A_88, %broadcast_in_dim3A_57 : vector<16xi32>
      %broadcast_in_dim3A_193 = arith.constant true
      %broadcast_in_dim3A_194 = vector.broadcast %broadcast_in_dim3A_193 : i1 to vector<16xi1>
      %masked_cumsum3A_195 = tpu.scan <sum>, %convert_element_type3A_191 masked %broadcast_in_dim3A_194 : vector<16xi32>, vector<16xi1> -> vector<16xi32>
      %add3A_196 = arith.addi %min3A_192, %masked_cumsum3A_195 : vector<16xi32>
      tpu.vector_store_idx %arg11[%add3A_196], %add3A_98 masked %and3A_190 : memref<1568xi32, #tpu.memory_space<vmem>>[vector<16xi32>], vector<16xi32>, vector<16xi1>
      %all_reduce_population_count3A_197 = tpu.all_reduce %gt3A_188 {dim = 0 : i64, kind = #tpu.reduction_kind<sum>} : vector<16xi1> -> vector<16xi32>
      %add3A_198 = arith.addi %scan3A_88, %all_reduce_population_count3A_197 : vector<16xi32>
      %min3A_199 = arith.minimumf %get3A_95, %get3A_39 : vector<16xf32>
      %max3A_200 = arith.maximumf %get3A_93, %get3A_25 : vector<16xf32>
      %sub3A_201 = arith.subf %min3A_199, %max3A_200 : vector<16xf32>
      %mul3A_202 = arith.constant 3.000000e+00 : f32
      %mul3A_203 = vector.broadcast %mul3A_202 : f32 to vector<16xf32>
      %mul3A_204 = arith.mulf %sub3A_201, %mul3A_203 : vector<16xf32>
      %add3A_205 = arith.addf %sub3A_96, %sub3A_45 : vector<16xf32>
      %gt3A_206 = arith.cmpf ogt, %mul3A_204, %add3A_205 : vector<16xf32>
      %lt3A_207 = arith.cmpi slt, %scan3A_89, %broadcast_in_dim3A_59 : vector<16xi32>
      %and3A_208 = arith.andi %gt3A_206, %lt3A_207 : vector<16xi1>
      %convert_element_type3A_209 = arith.extui %and3A_208 : vector<16xi1> to vector<16xi32>
      %min3A_210 = arith.minsi %scan3A_89, %broadcast_in_dim3A_59 : vector<16xi32>
      %broadcast_in_dim3A_211 = arith.constant true
      %broadcast_in_dim3A_212 = vector.broadcast %broadcast_in_dim3A_211 : i1 to vector<16xi1>
      %masked_cumsum3A_213 = tpu.scan <sum>, %convert_element_type3A_209 masked %broadcast_in_dim3A_212 : vector<16xi32>, vector<16xi1> -> vector<16xi32>
      %add3A_214 = arith.addi %min3A_210, %masked_cumsum3A_213 : vector<16xi32>
      tpu.vector_store_idx %arg11[%add3A_214], %add3A_98 masked %and3A_208 : memref<1568xi32, #tpu.memory_space<vmem>>[vector<16xi32>], vector<16xi32>, vector<16xi1>
      %all_reduce_population_count3A_215 = tpu.all_reduce %gt3A_206 {dim = 0 : i64, kind = #tpu.reduction_kind<sum>} : vector<16xi1> -> vector<16xi32>
      %add3A_216 = arith.addi %scan3A_89, %all_reduce_population_count3A_215 : vector<16xi32>
      scf.yield %add3A_108, %add3A_126, %add3A_144, %add3A_162, %add3A_180, %add3A_198, %add3A_216 : vector<16xi32>, vector<16xi32>, vector<16xi32>, vector<16xi32>, vector<16xi32>, vector<16xi32>, vector<16xi32>
    }
    %scan3A_79 = arith.constant 1250 : i32
    %mul3A_80 = arith.constant 224 : i32
    %mul3A_81 = arith.muli %mul3A_2, %mul3A_80 : i32
    "tpu.region"() ({
      %run_scoped3A = tpu.sem_alloc : memref<!tpu.dma_semaphore, #tpu.memory_space<semaphore_mem>>
      %dma_start3A = tpu.memref_slice %arg6[%mul3A_81] : memref<50176xi32, #tpu.memory_space<hbm>> -> memref<1568xi32, #tpu.memory_space<hbm>>
      %dma_start3A_82 = tpu.memref_slice %arg6[%mul3A_81] : memref<50176xi32, #tpu.memory_space<hbm>> -> memref<1568xi32, #tpu.memory_space<hbm>>
      tpu.enqueue_dma source(%arg11 : memref<1568xi32, #tpu.memory_space<vmem>>) target(%dma_start3A_82 : memref<1568xi32, #tpu.memory_space<hbm>>) target_semaphore(%run_scoped3A : memref<!tpu.dma_semaphore, #tpu.memory_space<semaphore_mem>>)
      %dma_wait3A = tpu.memref_slice %arg6[%mul3A_81] : memref<50176xi32, #tpu.memory_space<hbm>> -> memref<1568xi32, #tpu.memory_space<hbm>>
      %dma_wait3A_83 = tpu.memref_slice %arg6[%mul3A_81] : memref<50176xi32, #tpu.memory_space<hbm>> -> memref<1568xi32, #tpu.memory_space<hbm>>
      tpu.wait_dma2 semaphore(%run_scoped3A : memref<!tpu.dma_semaphore, #tpu.memory_space<semaphore_mem>>) src(%arg11 : memref<1568xi32, #tpu.memory_space<vmem>>) dst(%dma_wait3A_83 : memref<1568xi32, #tpu.memory_space<hbm>>)
      tpu.yield
    }) : () -> ()
    return
  }
}

#map = affine_map<(d0, d1) -> (0)>
module attributes {stable_mosaic.version = 14 : i64} {
  func.func @_k3_body(%arg0: i32, %arg1: i32, %arg2: memref<20000xf32, #tpu.memory_space<hbm>>, %arg3: memref<3584xi32, #tpu.memory_space<hbm>>, %arg4: memref<3584xf32, #tpu.memory_space<hbm>>, %arg5: memref<256xi32, #tpu.memory_space<hbm>>, %arg6: memref<20000xf32, #tpu.memory_space<vmem>>, %arg7: memref<112xi32, #tpu.memory_space<vmem>>, %arg8: memref<112xf32, #tpu.memory_space<vmem>>, %arg9: memref<8xi32, #tpu.memory_space<vmem>>) attributes {dimension_semantics = [#tpu.dimension_semantics<core_parallel>, #tpu.dimension_semantics<subcore_parallel>], iteration_bounds = array<i64: 2, 16>, scalar_prefetch = 0 : i64, scratch_operands = 4 : i64, tpu.core_type = #tpu.core_type<sc_vector_subcore>, window_params = [{transform_indices = #map}, {transform_indices = #map}, {transform_indices = #map}, {transform_indices = #map}]} {
    %mul3A = arith.constant 2 : i32
    %mul3A_0 = arith.muli %arg1, %mul3A : i32
    %add3A = arith.addi %mul3A_0, %arg0 : i32
    "tpu.region"() ({
      %run_scoped3A = tpu.sem_alloc : memref<!tpu.dma_semaphore, #tpu.memory_space<semaphore_mem>>
      tpu.enqueue_dma source(%arg2 : memref<20000xf32, #tpu.memory_space<hbm>>) target(%arg6 : memref<20000xf32, #tpu.memory_space<vmem>>) target_semaphore(%run_scoped3A : memref<!tpu.dma_semaphore, #tpu.memory_space<semaphore_mem>>)
      tpu.wait_dma2 semaphore(%run_scoped3A : memref<!tpu.dma_semaphore, #tpu.memory_space<semaphore_mem>>) src(%arg2 : memref<20000xf32, #tpu.memory_space<hbm>>) dst(%arg6 : memref<20000xf32, #tpu.memory_space<vmem>>)
      tpu.yield
    }) : () -> ()
    %mul3A_1 = arith.constant 7 : i32
    %mul3A_2 = arith.muli %add3A, %mul3A_1 : i32
    %mul3A_3 = arith.constant 16 : i32
    %mul3A_4 = arith.muli %mul3A_2, %mul3A_3 : i32
    "tpu.region"() ({
      %run_scoped3A = tpu.sem_alloc : memref<!tpu.dma_semaphore, #tpu.memory_space<semaphore_mem>>
      %dma_start3A = tpu.memref_slice %arg3[%mul3A_4] : memref<3584xi32, #tpu.memory_space<hbm>> -> memref<112xi32, #tpu.memory_space<hbm>>
      %dma_start3A_190 = tpu.memref_slice %arg3[%mul3A_4] : memref<3584xi32, #tpu.memory_space<hbm>> -> memref<112xi32, #tpu.memory_space<hbm>>
      tpu.enqueue_dma source(%dma_start3A_190 : memref<112xi32, #tpu.memory_space<hbm>>) target(%arg7 : memref<112xi32, #tpu.memory_space<vmem>>) target_semaphore(%run_scoped3A : memref<!tpu.dma_semaphore, #tpu.memory_space<semaphore_mem>>)
      %dma_wait3A = tpu.memref_slice %arg3[%mul3A_4] : memref<3584xi32, #tpu.memory_space<hbm>> -> memref<112xi32, #tpu.memory_space<hbm>>
      %dma_wait3A_191 = tpu.memref_slice %arg3[%mul3A_4] : memref<3584xi32, #tpu.memory_space<hbm>> -> memref<112xi32, #tpu.memory_space<hbm>>
      tpu.wait_dma2 semaphore(%run_scoped3A : memref<!tpu.dma_semaphore, #tpu.memory_space<semaphore_mem>>) src(%dma_wait3A_191 : memref<112xi32, #tpu.memory_space<hbm>>) dst(%arg7 : memref<112xi32, #tpu.memory_space<vmem>>)
      tpu.yield
    }) : () -> ()
    %mul3A_5 = arith.constant 7 : i32
    %mul3A_6 = arith.muli %add3A, %mul3A_5 : i32
    %mul3A_7 = arith.constant 16 : i32
    %mul3A_8 = arith.muli %mul3A_6, %mul3A_7 : i32
    "tpu.region"() ({
      %run_scoped3A = tpu.sem_alloc : memref<!tpu.dma_semaphore, #tpu.memory_space<semaphore_mem>>
      %dma_start3A = tpu.memref_slice %arg4[%mul3A_8] : memref<3584xf32, #tpu.memory_space<hbm>> -> memref<112xf32, #tpu.memory_space<hbm>>
      %dma_start3A_190 = tpu.memref_slice %arg4[%mul3A_8] : memref<3584xf32, #tpu.memory_space<hbm>> -> memref<112xf32, #tpu.memory_space<hbm>>
      tpu.enqueue_dma source(%dma_start3A_190 : memref<112xf32, #tpu.memory_space<hbm>>) target(%arg8 : memref<112xf32, #tpu.memory_space<vmem>>) target_semaphore(%run_scoped3A : memref<!tpu.dma_semaphore, #tpu.memory_space<semaphore_mem>>)
      %dma_wait3A = tpu.memref_slice %arg4[%mul3A_8] : memref<3584xf32, #tpu.memory_space<hbm>> -> memref<112xf32, #tpu.memory_space<hbm>>
      %dma_wait3A_191 = tpu.memref_slice %arg4[%mul3A_8] : memref<3584xf32, #tpu.memory_space<hbm>> -> memref<112xf32, #tpu.memory_space<hbm>>
      tpu.wait_dma2 semaphore(%run_scoped3A : memref<!tpu.dma_semaphore, #tpu.memory_space<semaphore_mem>>) src(%dma_wait3A_191 : memref<112xf32, #tpu.memory_space<hbm>>) dst(%arg8 : memref<112xf32, #tpu.memory_space<vmem>>)
      tpu.yield
    }) : () -> ()
    %iota3A = tpu.iota {dimensions = array<i32: 0>} : vector<16xi32>
    %get3A = arith.constant 0 : index
    %get3A_9 = tpu.vector_load %arg7[%get3A] {strides = array<i32>} : memref<112xi32, #tpu.memory_space<vmem>>, vector<16xi32>,
    %get3A_10 = arith.constant 16 : index
    %get3A_11 = tpu.vector_load %arg7[%get3A_10] {strides = array<i32>} : memref<112xi32, #tpu.memory_space<vmem>>, vector<16xi32>,
    %get3A_12 = arith.constant 32 : index
    %get3A_13 = tpu.vector_load %arg7[%get3A_12] {strides = array<i32>} : memref<112xi32, #tpu.memory_space<vmem>>, vector<16xi32>,
    %get3A_14 = arith.constant 48 : index
    %get3A_15 = tpu.vector_load %arg7[%get3A_14] {strides = array<i32>} : memref<112xi32, #tpu.memory_space<vmem>>, vector<16xi32>,
    %get3A_16 = arith.constant 64 : index
    %get3A_17 = tpu.vector_load %arg7[%get3A_16] {strides = array<i32>} : memref<112xi32, #tpu.memory_space<vmem>>, vector<16xi32>,
    %get3A_18 = arith.constant 80 : index
    %get3A_19 = tpu.vector_load %arg7[%get3A_18] {strides = array<i32>} : memref<112xi32, #tpu.memory_space<vmem>>, vector<16xi32>,
    %get3A_20 = arith.constant 96 : index
    %get3A_21 = tpu.vector_load %arg7[%get3A_20] {strides = array<i32>} : memref<112xi32, #tpu.memory_space<vmem>>, vector<16xi32>,
    %get3A_22 = arith.constant 0 : index
    %get3A_23 = tpu.vector_load %arg8[%get3A_22] {strides = array<i32>} : memref<112xf32, #tpu.memory_space<vmem>>, vector<16xf32>,
    %get3A_24 = arith.constant 16 : index
    %get3A_25 = tpu.vector_load %arg8[%get3A_24] {strides = array<i32>} : memref<112xf32, #tpu.memory_space<vmem>>, vector<16xf32>,
    %get3A_26 = arith.constant 32 : index
    %get3A_27 = tpu.vector_load %arg8[%get3A_26] {strides = array<i32>} : memref<112xf32, #tpu.memory_space<vmem>>, vector<16xf32>,
    %get3A_28 = arith.constant 48 : index
    %get3A_29 = tpu.vector_load %arg8[%get3A_28] {strides = array<i32>} : memref<112xf32, #tpu.memory_space<vmem>>, vector<16xf32>,
    %get3A_30 = arith.constant 64 : index
    %get3A_31 = tpu.vector_load %arg8[%get3A_30] {strides = array<i32>} : memref<112xf32, #tpu.memory_space<vmem>>, vector<16xf32>,
    %get3A_32 = arith.constant 80 : index
    %get3A_33 = tpu.vector_load %arg8[%get3A_32] {strides = array<i32>} : memref<112xf32, #tpu.memory_space<vmem>>, vector<16xf32>,
    %get3A_34 = arith.constant 96 : index
    %get3A_35 = tpu.vector_load %arg8[%get3A_34] {strides = array<i32>} : memref<112xf32, #tpu.memory_space<vmem>>, vector<16xf32>,
    %broadcast_in_dim3A = arith.constant 0 : i32
    %broadcast_in_dim3A_36 = vector.broadcast %broadcast_in_dim3A : i32 to vector<16xi32>
    %broadcast_in_dim3A_37 = arith.constant 0 : i32
    %broadcast_in_dim3A_38 = vector.broadcast %broadcast_in_dim3A_37 : i32 to vector<16xi32>
    %broadcast_in_dim3A_39 = arith.constant 0 : i32
    %broadcast_in_dim3A_40 = vector.broadcast %broadcast_in_dim3A_39 : i32 to vector<16xi32>
    %broadcast_in_dim3A_41 = arith.constant 0 : i32
    %broadcast_in_dim3A_42 = vector.broadcast %broadcast_in_dim3A_41 : i32 to vector<16xi32>
    %broadcast_in_dim3A_43 = arith.constant 0 : i32
    %broadcast_in_dim3A_44 = vector.broadcast %broadcast_in_dim3A_43 : i32 to vector<16xi32>
    %broadcast_in_dim3A_45 = arith.constant 0 : i32
    %broadcast_in_dim3A_46 = vector.broadcast %broadcast_in_dim3A_45 : i32 to vector<16xi32>
    %broadcast_in_dim3A_47 = arith.constant 0 : i32
    %broadcast_in_dim3A_48 = vector.broadcast %broadcast_in_dim3A_47 : i32 to vector<16xi32>
    %scan3A = arith.constant 0 : i32
    %scan3A_49 = arith.constant 1250 : i32
    %scan3A_50 = arith.addi %scan3A, %scan3A_49 : i32
    %scan3A_51 = arith.constant 1 : i32
    %scan3A_52:7 = scf.for %scan3A_190 = %scan3A to %scan3A_50 step %scan3A_51 iter_args(%scan3A_191 = %broadcast_in_dim3A_36, %scan3A_192 = %broadcast_in_dim3A_38, %scan3A_193 = %broadcast_in_dim3A_40, %scan3A_194 = %broadcast_in_dim3A_42, %scan3A_195 = %broadcast_in_dim3A_44, %scan3A_196 = %broadcast_in_dim3A_46, %scan3A_197 = %broadcast_in_dim3A_48) -> (vector<16xi32>, vector<16xi32>, vector<16xi32>, vector<16xi32>, vector<16xi32>, vector<16xi32>, vector<16xi32>)  : i32 {
      %mul3A_198 = arith.constant 16 : i32
      %mul3A_199 = arith.muli %scan3A_190, %mul3A_198 : i32
      %get3A_200 = arith.index_cast %mul3A_199 : i32 to index
      %get3A_201 = tpu.vector_load %arg6[%get3A_200] {strides = array<i32>} : memref<20000xf32, #tpu.memory_space<vmem>>, vector<16xf32>,
      %add3A_202 = vector.broadcast %mul3A_199 : i32 to vector<16xi32>
      %add3A_203 = arith.addi %iota3A, %add3A_202 : vector<16xi32>
      %gt3A = arith.cmpf ogt, %get3A_201, %get3A_23 : vector<16xf32>
      %eq3A_204 = arith.cmpf oeq, %get3A_201, %get3A_23 : vector<16xf32>
      %lt3A = arith.cmpi slt, %add3A_203, %get3A_9 : vector<16xi32>
      %and3A = arith.andi %eq3A_204, %lt3A : vector<16xi1>
      %or3A = arith.ori %gt3A, %and3A : vector<16xi1>
      %convert_element_type3A = arith.extui %or3A : vector<16xi1> to vector<16xi32>
      %add3A_205 = arith.addi %scan3A_191, %convert_element_type3A : vector<16xi32>
      %gt3A_206 = arith.cmpf ogt, %get3A_201, %get3A_25 : vector<16xf32>
      %eq3A_207 = arith.cmpf oeq, %get3A_201, %get3A_25 : vector<16xf32>
      %lt3A_208 = arith.cmpi slt, %add3A_203, %get3A_11 : vector<16xi32>
      %and3A_209 = arith.andi %eq3A_207, %lt3A_208 : vector<16xi1>
      %or3A_210 = arith.ori %gt3A_206, %and3A_209 : vector<16xi1>
      %convert_element_type3A_211 = arith.extui %or3A_210 : vector<16xi1> to vector<16xi32>
      %add3A_212 = arith.addi %scan3A_192, %convert_element_type3A_211 : vector<16xi32>
      %gt3A_213 = arith.cmpf ogt, %get3A_201, %get3A_27 : vector<16xf32>
      %eq3A_214 = arith.cmpf oeq, %get3A_201, %get3A_27 : vector<16xf32>
      %lt3A_215 = arith.cmpi slt, %add3A_203, %get3A_13 : vector<16xi32>
      %and3A_216 = arith.andi %eq3A_214, %lt3A_215 : vector<16xi1>
      %or3A_217 = arith.ori %gt3A_213, %and3A_216 : vector<16xi1>
      %convert_element_type3A_218 = arith.extui %or3A_217 : vector<16xi1> to vector<16xi32>
      %add3A_219 = arith.addi %scan3A_193, %convert_element_type3A_218 : vector<16xi32>
      %gt3A_220 = arith.cmpf ogt, %get3A_201, %get3A_29 : vector<16xf32>
      %eq3A_221 = arith.cmpf oeq, %get3A_201, %get3A_29 : vector<16xf32>
      %lt3A_222 = arith.cmpi slt, %add3A_203, %get3A_15 : vector<16xi32>
      %and3A_223 = arith.andi %eq3A_221, %lt3A_222 : vector<16xi1>
      %or3A_224 = arith.ori %gt3A_220, %and3A_223 : vector<16xi1>
      %convert_element_type3A_225 = arith.extui %or3A_224 : vector<16xi1> to vector<16xi32>
      %add3A_226 = arith.addi %scan3A_194, %convert_element_type3A_225 : vector<16xi32>
      %gt3A_227 = arith.cmpf ogt, %get3A_201, %get3A_31 : vector<16xf32>
      %eq3A_228 = arith.cmpf oeq, %get3A_201, %get3A_31 : vector<16xf32>
      %lt3A_229 = arith.cmpi slt, %add3A_203, %get3A_17 : vector<16xi32>
      %and3A_230 = arith.andi %eq3A_228, %lt3A_229 : vector<16xi1>
      %or3A_231 = arith.ori %gt3A_227, %and3A_230 : vector<16xi1>
      %convert_element_type3A_232 = arith.extui %or3A_231 : vector<16xi1> to vector<16xi32>
      %add3A_233 = arith.addi %scan3A_195, %convert_element_type3A_232 : vector<16xi32>
      %gt3A_234 = arith.cmpf ogt, %get3A_201, %get3A_33 : vector<16xf32>
      %eq3A_235 = arith.cmpf oeq, %get3A_201, %get3A_33 : vector<16xf32>
      %lt3A_236 = arith.cmpi slt, %add3A_203, %get3A_19 : vector<16xi32>
      %and3A_237 = arith.andi %eq3A_235, %lt3A_236 : vector<16xi1>
      %or3A_238 = arith.ori %gt3A_234, %and3A_237 : vector<16xi1>
      %convert_element_type3A_239 = arith.extui %or3A_238 : vector<16xi1> to vector<16xi32>
      %add3A_240 = arith.addi %scan3A_196, %convert_element_type3A_239 : vector<16xi32>
      %gt3A_241 = arith.cmpf ogt, %get3A_201, %get3A_35 : vector<16xf32>
      %eq3A_242 = arith.cmpf oeq, %get3A_201, %get3A_35 : vector<16xf32>
      %lt3A_243 = arith.cmpi slt, %add3A_203, %get3A_21 : vector<16xi32>
      %and3A_244 = arith.andi %eq3A_242, %lt3A_243 : vector<16xi1>
      %or3A_245 = arith.ori %gt3A_241, %and3A_244 : vector<16xi1>
      %convert_element_type3A_246 = arith.extui %or3A_245 : vector<16xi1> to vector<16xi32>
      %add3A_247 = arith.addi %scan3A_197, %convert_element_type3A_246 : vector<16xi32>
      scf.yield %add3A_205, %add3A_212, %add3A_219, %add3A_226, %add3A_233, %add3A_240, %add3A_247 : vector<16xi32>, vector<16xi32>, vector<16xi32>, vector<16xi32>, vector<16xi32>, vector<16xi32>, vector<16xi32>
    }
    %scan3A_53 = arith.constant 1250 : i32
    %eq3A = arith.constant 0 : i32
    %eq3A_54 = vector.broadcast %eq3A : i32 to vector<16xi32>
    %eq3A_55 = arith.cmpi eq, %iota3A, %eq3A_54 : vector<16xi32>
    %reduce_max3A = arith.constant true
    %reduce_max3A_56 = vector.broadcast %reduce_max3A : i1 to vector<16xi1>
    %reduce_max3A_57 = arith.constant -2147483648 : i32
    %reduce_max3A_58 = vector.broadcast %reduce_max3A_57 : i32 to vector<16xi32>
    %reduce_max3A_59 = arith.xori %get3A_9, %reduce_max3A_58 : vector<16xi32>
    %reduce_max3A_60 = tpu.scan <max>, %reduce_max3A_59 masked %reduce_max3A_56 : vector<16xi32>, vector<16xi1> -> vector<16xi32>
    %reduce_max3A_61 = arith.xori %reduce_max3A_60, %reduce_max3A_58 : vector<16xi32>
    %reduce_max3A_62 = vector.extract %reduce_max3A_61[15] : i32 from vector<16xi32>
    %ge3A = arith.constant 0 : i32
    %ge3A_63 = arith.cmpi sge, %reduce_max3A_62, %ge3A : i32
    %reduce_sum3A = arith.constant true
    %reduce_sum3A_64 = vector.broadcast %reduce_sum3A : i1 to vector<16xi1>
    %reduce_sum3A_65 = tpu.scan <sum>, %scan3A_52#0 masked %reduce_sum3A_64 : vector<16xi32>, vector<16xi1> -> vector<16xi32>
    %reduce_sum3A_66 = vector.extract %reduce_sum3A_65[15] : i32 from vector<16xi32>
    %jit3A = arith.constant 1073741824 : i32
    %select_n3A = arith.select %ge3A_63, %reduce_sum3A_66, %jit3A : i32
    %broadcast_in_dim3A_67 = arith.constant 0 : i32
    %broadcast_in_dim3A_68 = vector.broadcast %broadcast_in_dim3A_67 : i32 to vector<16xi32>
    %broadcast_in_dim3A_69 = vector.broadcast %select_n3A : i32 to vector<16xi32>
    tpu.vector_store_idx %arg9[%broadcast_in_dim3A_68], %broadcast_in_dim3A_69 masked %eq3A_55 : memref<8xi32, #tpu.memory_space<vmem>>[vector<16xi32>], vector<16xi32>, vector<16xi1>
    %reduce_max3A_70 = arith.constant true
    %reduce_max3A_71 = vector.broadcast %reduce_max3A_70 : i1 to vector<16xi1>
    %reduce_max3A_72 = arith.constant -2147483648 : i32
    %reduce_max3A_73 = vector.broadcast %reduce_max3A_72 : i32 to vector<16xi32>
    %reduce_max3A_74 = arith.xori %get3A_11, %reduce_max3A_73 : vector<16xi32>
    %reduce_max3A_75 = tpu.scan <max>, %reduce_max3A_74 masked %reduce_max3A_71 : vector<16xi32>, vector<16xi1> -> vector<16xi32>
    %reduce_max3A_76 = arith.xori %reduce_max3A_75, %reduce_max3A_73 : vector<16xi32>
    %reduce_max3A_77 = vector.extract %reduce_max3A_76[15] : i32 from vector<16xi32>
    %ge3A_78 = arith.constant 0 : i32
    %ge3A_79 = arith.cmpi sge, %reduce_max3A_77, %ge3A_78 : i32
    %reduce_sum3A_80 = arith.constant true
    %reduce_sum3A_81 = vector.broadcast %reduce_sum3A_80 : i1 to vector<16xi1>
    %reduce_sum3A_82 = tpu.scan <sum>, %scan3A_52#1 masked %reduce_sum3A_81 : vector<16xi32>, vector<16xi1> -> vector<16xi32>
    %reduce_sum3A_83 = vector.extract %reduce_sum3A_82[15] : i32 from vector<16xi32>
    %jit3A_84 = arith.constant 1073741824 : i32
    %select_n3A_85 = arith.select %ge3A_79, %reduce_sum3A_83, %jit3A_84 : i32
    %broadcast_in_dim3A_86 = arith.constant 1 : i32
    %broadcast_in_dim3A_87 = vector.broadcast %broadcast_in_dim3A_86 : i32 to vector<16xi32>
    %broadcast_in_dim3A_88 = vector.broadcast %select_n3A_85 : i32 to vector<16xi32>
    tpu.vector_store_idx %arg9[%broadcast_in_dim3A_87], %broadcast_in_dim3A_88 masked %eq3A_55 : memref<8xi32, #tpu.memory_space<vmem>>[vector<16xi32>], vector<16xi32>, vector<16xi1>
    %reduce_max3A_89 = arith.constant true
    %reduce_max3A_90 = vector.broadcast %reduce_max3A_89 : i1 to vector<16xi1>
    %reduce_max3A_91 = arith.constant -2147483648 : i32
    %reduce_max3A_92 = vector.broadcast %reduce_max3A_91 : i32 to vector<16xi32>
    %reduce_max3A_93 = arith.xori %get3A_13, %reduce_max3A_92 : vector<16xi32>
    %reduce_max3A_94 = tpu.scan <max>, %reduce_max3A_93 masked %reduce_max3A_90 : vector<16xi32>, vector<16xi1> -> vector<16xi32>
    %reduce_max3A_95 = arith.xori %reduce_max3A_94, %reduce_max3A_92 : vector<16xi32>
    %reduce_max3A_96 = vector.extract %reduce_max3A_95[15] : i32 from vector<16xi32>
    %ge3A_97 = arith.constant 0 : i32
    %ge3A_98 = arith.cmpi sge, %reduce_max3A_96, %ge3A_97 : i32
    %reduce_sum3A_99 = arith.constant true
    %reduce_sum3A_100 = vector.broadcast %reduce_sum3A_99 : i1 to vector<16xi1>
    %reduce_sum3A_101 = tpu.scan <sum>, %scan3A_52#2 masked %reduce_sum3A_100 : vector<16xi32>, vector<16xi1> -> vector<16xi32>
    %reduce_sum3A_102 = vector.extract %reduce_sum3A_101[15] : i32 from vector<16xi32>
    %jit3A_103 = arith.constant 1073741824 : i32
    %select_n3A_104 = arith.select %ge3A_98, %reduce_sum3A_102, %jit3A_103 : i32
    %broadcast_in_dim3A_105 = arith.constant 2 : i32
    %broadcast_in_dim3A_106 = vector.broadcast %broadcast_in_dim3A_105 : i32 to vector<16xi32>
    %broadcast_in_dim3A_107 = vector.broadcast %select_n3A_104 : i32 to vector<16xi32>
    tpu.vector_store_idx %arg9[%broadcast_in_dim3A_106], %broadcast_in_dim3A_107 masked %eq3A_55 : memref<8xi32, #tpu.memory_space<vmem>>[vector<16xi32>], vector<16xi32>, vector<16xi1>
    %reduce_max3A_108 = arith.constant true
    %reduce_max3A_109 = vector.broadcast %reduce_max3A_108 : i1 to vector<16xi1>
    %reduce_max3A_110 = arith.constant -2147483648 : i32
    %reduce_max3A_111 = vector.broadcast %reduce_max3A_110 : i32 to vector<16xi32>
    %reduce_max3A_112 = arith.xori %get3A_15, %reduce_max3A_111 : vector<16xi32>
    %reduce_max3A_113 = tpu.scan <max>, %reduce_max3A_112 masked %reduce_max3A_109 : vector<16xi32>, vector<16xi1> -> vector<16xi32>
    %reduce_max3A_114 = arith.xori %reduce_max3A_113, %reduce_max3A_111 : vector<16xi32>
    %reduce_max3A_115 = vector.extract %reduce_max3A_114[15] : i32 from vector<16xi32>
    %ge3A_116 = arith.constant 0 : i32
    %ge3A_117 = arith.cmpi sge, %reduce_max3A_115, %ge3A_116 : i32
    %reduce_sum3A_118 = arith.constant true
    %reduce_sum3A_119 = vector.broadcast %reduce_sum3A_118 : i1 to vector<16xi1>
    %reduce_sum3A_120 = tpu.scan <sum>, %scan3A_52#3 masked %reduce_sum3A_119 : vector<16xi32>, vector<16xi1> -> vector<16xi32>
    %reduce_sum3A_121 = vector.extract %reduce_sum3A_120[15] : i32 from vector<16xi32>
    %jit3A_122 = arith.constant 1073741824 : i32
    %select_n3A_123 = arith.select %ge3A_117, %reduce_sum3A_121, %jit3A_122 : i32
    %broadcast_in_dim3A_124 = arith.constant 3 : i32
    %broadcast_in_dim3A_125 = vector.broadcast %broadcast_in_dim3A_124 : i32 to vector<16xi32>
    %broadcast_in_dim3A_126 = vector.broadcast %select_n3A_123 : i32 to vector<16xi32>
    tpu.vector_store_idx %arg9[%broadcast_in_dim3A_125], %broadcast_in_dim3A_126 masked %eq3A_55 : memref<8xi32, #tpu.memory_space<vmem>>[vector<16xi32>], vector<16xi32>, vector<16xi1>
    %reduce_max3A_127 = arith.constant true
    %reduce_max3A_128 = vector.broadcast %reduce_max3A_127 : i1 to vector<16xi1>
    %reduce_max3A_129 = arith.constant -2147483648 : i32
    %reduce_max3A_130 = vector.broadcast %reduce_max3A_129 : i32 to vector<16xi32>
    %reduce_max3A_131 = arith.xori %get3A_17, %reduce_max3A_130 : vector<16xi32>
    %reduce_max3A_132 = tpu.scan <max>, %reduce_max3A_131 masked %reduce_max3A_128 : vector<16xi32>, vector<16xi1> -> vector<16xi32>
    %reduce_max3A_133 = arith.xori %reduce_max3A_132, %reduce_max3A_130 : vector<16xi32>
    %reduce_max3A_134 = vector.extract %reduce_max3A_133[15] : i32 from vector<16xi32>
    %ge3A_135 = arith.constant 0 : i32
    %ge3A_136 = arith.cmpi sge, %reduce_max3A_134, %ge3A_135 : i32
    %reduce_sum3A_137 = arith.constant true
    %reduce_sum3A_138 = vector.broadcast %reduce_sum3A_137 : i1 to vector<16xi1>
    %reduce_sum3A_139 = tpu.scan <sum>, %scan3A_52#4 masked %reduce_sum3A_138 : vector<16xi32>, vector<16xi1> -> vector<16xi32>
    %reduce_sum3A_140 = vector.extract %reduce_sum3A_139[15] : i32 from vector<16xi32>
    %jit3A_141 = arith.constant 1073741824 : i32
    %select_n3A_142 = arith.select %ge3A_136, %reduce_sum3A_140, %jit3A_141 : i32
    %broadcast_in_dim3A_143 = arith.constant 4 : i32
    %broadcast_in_dim3A_144 = vector.broadcast %broadcast_in_dim3A_143 : i32 to vector<16xi32>
    %broadcast_in_dim3A_145 = vector.broadcast %select_n3A_142 : i32 to vector<16xi32>
    tpu.vector_store_idx %arg9[%broadcast_in_dim3A_144], %broadcast_in_dim3A_145 masked %eq3A_55 : memref<8xi32, #tpu.memory_space<vmem>>[vector<16xi32>], vector<16xi32>, vector<16xi1>
    %reduce_max3A_146 = arith.constant true
    %reduce_max3A_147 = vector.broadcast %reduce_max3A_146 : i1 to vector<16xi1>
    %reduce_max3A_148 = arith.constant -2147483648 : i32
    %reduce_max3A_149 = vector.broadcast %reduce_max3A_148 : i32 to vector<16xi32>
    %reduce_max3A_150 = arith.xori %get3A_19, %reduce_max3A_149 : vector<16xi32>
    %reduce_max3A_151 = tpu.scan <max>, %reduce_max3A_150 masked %reduce_max3A_147 : vector<16xi32>, vector<16xi1> -> vector<16xi32>
    %reduce_max3A_152 = arith.xori %reduce_max3A_151, %reduce_max3A_149 : vector<16xi32>
    %reduce_max3A_153 = vector.extract %reduce_max3A_152[15] : i32 from vector<16xi32>
    %ge3A_154 = arith.constant 0 : i32
    %ge3A_155 = arith.cmpi sge, %reduce_max3A_153, %ge3A_154 : i32
    %reduce_sum3A_156 = arith.constant true
    %reduce_sum3A_157 = vector.broadcast %reduce_sum3A_156 : i1 to vector<16xi1>
    %reduce_sum3A_158 = tpu.scan <sum>, %scan3A_52#5 masked %reduce_sum3A_157 : vector<16xi32>, vector<16xi1> -> vector<16xi32>
    %reduce_sum3A_159 = vector.extract %reduce_sum3A_158[15] : i32 from vector<16xi32>
    %jit3A_160 = arith.constant 1073741824 : i32
    %select_n3A_161 = arith.select %ge3A_155, %reduce_sum3A_159, %jit3A_160 : i32
    %broadcast_in_dim3A_162 = arith.constant 5 : i32
    %broadcast_in_dim3A_163 = vector.broadcast %broadcast_in_dim3A_162 : i32 to vector<16xi32>
    %broadcast_in_dim3A_164 = vector.broadcast %select_n3A_161 : i32 to vector<16xi32>
    tpu.vector_store_idx %arg9[%broadcast_in_dim3A_163], %broadcast_in_dim3A_164 masked %eq3A_55 : memref<8xi32, #tpu.memory_space<vmem>>[vector<16xi32>], vector<16xi32>, vector<16xi1>
    %reduce_max3A_165 = arith.constant true
    %reduce_max3A_166 = vector.broadcast %reduce_max3A_165 : i1 to vector<16xi1>
    %reduce_max3A_167 = arith.constant -2147483648 : i32
    %reduce_max3A_168 = vector.broadcast %reduce_max3A_167 : i32 to vector<16xi32>
    %reduce_max3A_169 = arith.xori %get3A_21, %reduce_max3A_168 : vector<16xi32>
    %reduce_max3A_170 = tpu.scan <max>, %reduce_max3A_169 masked %reduce_max3A_166 : vector<16xi32>, vector<16xi1> -> vector<16xi32>
    %reduce_max3A_171 = arith.xori %reduce_max3A_170, %reduce_max3A_168 : vector<16xi32>
    %reduce_max3A_172 = vector.extract %reduce_max3A_171[15] : i32 from vector<16xi32>
    %ge3A_173 = arith.constant 0 : i32
    %ge3A_174 = arith.cmpi sge, %reduce_max3A_172, %ge3A_173 : i32
    %reduce_sum3A_175 = arith.constant true
    %reduce_sum3A_176 = vector.broadcast %reduce_sum3A_175 : i1 to vector<16xi1>
    %reduce_sum3A_177 = tpu.scan <sum>, %scan3A_52#6 masked %reduce_sum3A_176 : vector<16xi32>, vector<16xi1> -> vector<16xi32>
    %reduce_sum3A_178 = vector.extract %reduce_sum3A_177[15] : i32 from vector<16xi32>
    %jit3A_179 = arith.constant 1073741824 : i32
    %select_n3A_180 = arith.select %ge3A_174, %reduce_sum3A_178, %jit3A_179 : i32
    %broadcast_in_dim3A_181 = arith.constant 6 : i32
    %broadcast_in_dim3A_182 = vector.broadcast %broadcast_in_dim3A_181 : i32 to vector<16xi32>
    %broadcast_in_dim3A_183 = vector.broadcast %select_n3A_180 : i32 to vector<16xi32>
    tpu.vector_store_idx %arg9[%broadcast_in_dim3A_182], %broadcast_in_dim3A_183 masked %eq3A_55 : memref<8xi32, #tpu.memory_space<vmem>>[vector<16xi32>], vector<16xi32>, vector<16xi1>
    %broadcast_in_dim3A_184 = arith.constant 7 : i32
    %broadcast_in_dim3A_185 = vector.broadcast %broadcast_in_dim3A_184 : i32 to vector<16xi32>
    %broadcast_in_dim3A_186 = arith.constant 1073741824 : i32
    %broadcast_in_dim3A_187 = vector.broadcast %broadcast_in_dim3A_186 : i32 to vector<16xi32>
    tpu.vector_store_idx %arg9[%broadcast_in_dim3A_185], %broadcast_in_dim3A_187 masked %eq3A_55 : memref<8xi32, #tpu.memory_space<vmem>>[vector<16xi32>], vector<16xi32>, vector<16xi1>
    %mul3A_188 = arith.constant 8 : i32
    %mul3A_189 = arith.muli %add3A, %mul3A_188 : i32
    "tpu.region"() ({
      %run_scoped3A = tpu.sem_alloc : memref<!tpu.dma_semaphore, #tpu.memory_space<semaphore_mem>>
      %dma_start3A = tpu.memref_slice %arg5[%mul3A_189] : memref<256xi32, #tpu.memory_space<hbm>> -> memref<8xi32, #tpu.memory_space<hbm>>
      %dma_start3A_190 = tpu.memref_slice %arg5[%mul3A_189] : memref<256xi32, #tpu.memory_space<hbm>> -> memref<8xi32, #tpu.memory_space<hbm>>
      tpu.enqueue_dma source(%arg9 : memref<8xi32, #tpu.memory_space<vmem>>) target(%dma_start3A_190 : memref<8xi32, #tpu.memory_space<hbm>>) target_semaphore(%run_scoped3A : memref<!tpu.dma_semaphore, #tpu.memory_space<semaphore_mem>>)
      %dma_wait3A = tpu.memref_slice %arg5[%mul3A_189] : memref<256xi32, #tpu.memory_space<hbm>> -> memref<8xi32, #tpu.memory_space<hbm>>
      %dma_wait3A_191 = tpu.memref_slice %arg5[%mul3A_189] : memref<256xi32, #tpu.memory_space<hbm>> -> memref<8xi32, #tpu.memory_space<hbm>>
      tpu.wait_dma2 semaphore(%run_scoped3A : memref<!tpu.dma_semaphore, #tpu.memory_space<semaphore_mem>>) src(%arg9 : memref<8xi32, #tpu.memory_space<vmem>>) dst(%dma_wait3A_191 : memref<8xi32, #tpu.memory_space<hbm>>)
      tpu.yield
    }) : () -> ()
    return
  }
}

#map = affine_map<(d0, d1) -> (0)>
module attributes {stable_mosaic.version = 14 : i64} {
  func.func @_k2_body(%arg0: i32, %arg1: i32, %arg2: memref<50176xi32, #tpu.memory_space<hbm>>, %arg3: memref<20000xf32, #tpu.memory_space<hbm>>, %arg4: memref<3584xi32, #tpu.memory_space<hbm>>, %arg5: memref<3584xf32, #tpu.memory_space<hbm>>, %arg6: memref<50176xi32, #tpu.memory_space<vmem>>, %arg7: memref<20000xf32, #tpu.memory_space<vmem>>, %arg8: memref<20016xi32, #tpu.memory_space<vmem>>, %arg9: memref<3584xi32, #tpu.memory_space<vmem>>, %arg10: memref<3584xf32, #tpu.memory_space<vmem>>) attributes {dimension_semantics = [#tpu.dimension_semantics<core_parallel>, #tpu.dimension_semantics<subcore_parallel>], iteration_bounds = array<i64: 1, 1>, scalar_prefetch = 0 : i64, scratch_operands = 5 : i64, tpu.core_type = #tpu.core_type<sc_vector_subcore>, window_params = [{transform_indices = #map}, {transform_indices = #map}, {transform_indices = #map}, {transform_indices = #map}]} {
    %mul3A = arith.constant 2 : i32
    %mul3A_0 = arith.muli %arg1, %mul3A : i32
    %add3A = arith.addi %mul3A_0, %arg0 : i32
    %eq3A = arith.constant 0 : i32
    %eq3A_1 = arith.cmpi eq, %add3A, %eq3A : i32
    %convert_element_type3A = arith.extui %eq3A_1 : i1 to i32
    %cond3A = arith.constant 0 : i32
    %cond3A_2 = arith.cmpi ne, %convert_element_type3A, %cond3A : i32
    scf.if %cond3A_2 {
      "tpu.region"() ({
        %run_scoped3A = tpu.sem_alloc : memref<!tpu.dma_semaphore, #tpu.memory_space<semaphore_mem>>
        tpu.enqueue_dma source(%arg2 : memref<50176xi32, #tpu.memory_space<hbm>>) target(%arg6 : memref<50176xi32, #tpu.memory_space<vmem>>) target_semaphore(%run_scoped3A : memref<!tpu.dma_semaphore, #tpu.memory_space<semaphore_mem>>)
        tpu.wait_dma2 semaphore(%run_scoped3A : memref<!tpu.dma_semaphore, #tpu.memory_space<semaphore_mem>>) src(%arg2 : memref<50176xi32, #tpu.memory_space<hbm>>) dst(%arg6 : memref<50176xi32, #tpu.memory_space<vmem>>)
        tpu.yield
      }) : () -> ()
      "tpu.region"() ({
        %run_scoped3A = tpu.sem_alloc : memref<!tpu.dma_semaphore, #tpu.memory_space<semaphore_mem>>
        tpu.enqueue_dma source(%arg3 : memref<20000xf32, #tpu.memory_space<hbm>>) target(%arg7 : memref<20000xf32, #tpu.memory_space<vmem>>) target_semaphore(%run_scoped3A : memref<!tpu.dma_semaphore, #tpu.memory_space<semaphore_mem>>)
        tpu.wait_dma2 semaphore(%run_scoped3A : memref<!tpu.dma_semaphore, #tpu.memory_space<semaphore_mem>>) src(%arg3 : memref<20000xf32, #tpu.memory_space<hbm>>) dst(%arg7 : memref<20000xf32, #tpu.memory_space<vmem>>)
        tpu.yield
      }) : () -> ()
      %iota3A = tpu.iota {dimensions = array<i32: 0>} : vector<16xi32>
      %broadcast_in_dim3A = arith.constant 0 : i32
      %broadcast_in_dim3A_3 = vector.broadcast %broadcast_in_dim3A : i32 to vector<16xi32>
      %broadcast_in_dim3A_4 = arith.constant 1 : i32
      %broadcast_in_dim3A_5 = vector.broadcast %broadcast_in_dim3A_4 : i32 to vector<16xi32>
      %broadcast_in_dim3A_6 = arith.constant 20000 : i32
      %broadcast_in_dim3A_7 = vector.broadcast %broadcast_in_dim3A_6 : i32 to vector<16xi32>
      %scan3A = arith.constant 0 : i32
      %scan3A_8 = arith.constant 0 : i32
      %scan3A_9 = arith.constant 1251 : i32
      %scan3A_10 = arith.addi %scan3A_8, %scan3A_9 : i32
      %scan3A_11 = arith.constant 1 : i32
      scf.for %scan3A_34 = %scan3A_8 to %scan3A_10 step %scan3A_11  : i32 {
        %mul3A_35 = arith.constant 16 : i32
        %mul3A_36 = arith.muli %scan3A_34, %mul3A_35 : i32
        %swap3A = arith.index_cast %mul3A_36 : i32 to index
        %swap3A_37 = tpu.vector_load %arg8[%swap3A] {strides = array<i32>} : memref<20016xi32, #tpu.memory_space<vmem>>, vector<16xi32>,
        tpu.vector_store %arg8[%swap3A], %broadcast_in_dim3A_3 {strides = array<i32>} : memref<20016xi32, #tpu.memory_space<vmem>>, vector<16xi32>,
      }
      %scan3A_12 = arith.constant 1251 : i32
      %eq3A_13 = arith.constant 0 : i32
      %eq3A_14 = vector.broadcast %eq3A_13 : i32 to vector<16xi32>
      %eq3A_15 = arith.cmpi eq, %iota3A, %eq3A_14 : vector<16xi32>
      %broadcast_in_dim3A_16 = arith.constant 15 : i32
      %broadcast_in_dim3A_17 = vector.broadcast %broadcast_in_dim3A_16 : i32 to vector<16xi32>
      %broadcast_in_dim3A_18 = arith.constant -1 : i32
      %broadcast_in_dim3A_19 = vector.broadcast %broadcast_in_dim3A_18 : i32 to vector<16xi32>
      %broadcast_in_dim3A_20 = arith.constant 0.000000e+00 : f32
      %broadcast_in_dim3A_21 = vector.broadcast %broadcast_in_dim3A_20 : f32 to vector<16xf32>
      %scan3A_22 = arith.constant 0 : i32
      %scan3A_23 = arith.constant 200 : i32
      %scan3A_24 = arith.constant 24 : i32
      %scan3A_25 = arith.addi %scan3A_23, %scan3A_24 : i32
      %scan3A_26 = arith.constant 1 : i32
      scf.for %scan3A_34 = %scan3A_23 to %scan3A_25 step %scan3A_26  : i32 {
        %mul3A_35 = arith.constant 16 : i32
        %mul3A_36 = arith.muli %scan3A_34, %mul3A_35 : i32
        %swap3A = arith.index_cast %mul3A_36 : i32 to index
        %swap3A_37 = tpu.vector_load %arg9[%swap3A] {strides = array<i32>} : memref<3584xi32, #tpu.memory_space<vmem>>, vector<16xi32>,
        tpu.vector_store %arg9[%swap3A], %broadcast_in_dim3A_19 {strides = array<i32>} : memref<3584xi32, #tpu.memory_space<vmem>>, vector<16xi32>,
        %mul3A_38 = arith.constant 16 : i32
        %mul3A_39 = arith.muli %scan3A_34, %mul3A_38 : i32
        %swap3A_40 = arith.index_cast %mul3A_39 : i32 to index
        %swap3A_41 = tpu.vector_load %arg10[%swap3A_40] {strides = array<i32>} : memref<3584xf32, #tpu.memory_space<vmem>>, vector<16xf32>,
        tpu.vector_store %arg10[%swap3A_40], %broadcast_in_dim3A_21 {strides = array<i32>} : memref<3584xf32, #tpu.memory_space<vmem>>, vector<16xf32>,
      }
      %scan3A_27 = arith.constant 24 : i32
      %scan3A_28 = arith.constant 0 : i32
      %scan3A_29 = arith.constant 0 : i32
      %scan3A_30 = arith.constant 200 : i32
      %scan3A_31 = arith.addi %scan3A_29, %scan3A_30 : i32
      %scan3A_32 = arith.constant 1 : i32
      scf.for %scan3A_34 = %scan3A_29 to %scan3A_31 step %scan3A_32  : i32 {
        %mul3A_35 = arith.constant 224 : i32
        %mul3A_36 = arith.muli %scan3A_34, %mul3A_35 : i32
        %mul3A_37 = arith.constant 0 : i32
        %mul3A_38 = arith.constant 16 : i32
        %mul3A_39 = arith.muli %mul3A_37, %mul3A_38 : i32
        %add3A_40 = arith.addi %mul3A_36, %mul3A_39 : i32
        %get3A = arith.index_cast %add3A_40 : i32 to index
        %get3A_41 = tpu.vector_load %arg6[%get3A] {strides = array<i32>} : memref<50176xi32, #tpu.memory_space<vmem>>, vector<16xi32>,
        %min3A = arith.minsi %get3A_41, %broadcast_in_dim3A_7 : vector<16xi32>
        %gather3A = tpu.vector_load_idx %arg8[%min3A] : memref<20016xi32, #tpu.memory_space<vmem>>[vector<16xi32>], vector<16xi32>,
        %eq3A_42 = arith.constant 0 : i32
        %eq3A_43 = vector.broadcast %eq3A_42 : i32 to vector<16xi32>
        %eq3A_44 = arith.cmpi eq, %gather3A, %eq3A_43 : vector<16xi32>
        %lt3A = arith.cmpi slt, %get3A_41, %broadcast_in_dim3A_7 : vector<16xi32>
        %and3A = arith.andi %eq3A_44, %lt3A : vector<16xi1>
        %all_reduce_ffs3A = tpu.all_reduce %and3A {dim = 0 : i64, kind = #tpu.reduction_kind<find_first_set>} : vector<16xi1> -> vector<16xi32>
        %min3A_45 = arith.minsi %all_reduce_ffs3A, %broadcast_in_dim3A_17 : vector<16xi32>
        %lt3A_46 = arith.constant 0 : i32
        %lt3A_47 = vector.broadcast %lt3A_46 : i32 to vector<16xi32>
        %lt3A_48 = arith.cmpi slt, %min3A_45, %lt3A_47 : vector<16xi32>
        %add3A_49 = arith.constant 16 : i32
        %add3A_50 = vector.broadcast %add3A_49 : i32 to vector<16xi32>
        %add3A_51 = arith.addi %min3A_45, %add3A_50 : vector<16xi32>
        %select_n3A = arith.select %lt3A_48, %add3A_51, %min3A_45 : vector<16xi1>, vector<16xi32>
        %broadcast_in_dim3A_52 = vector.shape_cast %select_n3A : vector<16xi32> to vector<16x1xi32>
        %gather3A_53 = vector.shape_cast %broadcast_in_dim3A_52 : vector<16x1xi32> to vector<16xi32>
        %gather3A_54 = tpu.dynamic_gather %get3A_41[%gather3A_53] in [0] : vector<16xi32>, vector<16xi32> -> vector<16xi32>
        %lt3A_55 = arith.constant 16 : i32
        %lt3A_56 = vector.broadcast %lt3A_55 : i32 to vector<16xi32>
        %lt3A_57 = arith.cmpi slt, %all_reduce_ffs3A, %lt3A_56 : vector<16xi32>
        %jit3A = arith.constant -1 : i32
        %broadcast_in_dim3A_58 = vector.broadcast %jit3A : i32 to vector<16xi32>
        %select_n3A_59 = arith.select %lt3A_57, %gather3A_54, %broadcast_in_dim3A_58 : vector<16xi1>, vector<16xi32>
        %lt3A_60 = arith.constant 0 : i32
        %lt3A_61 = vector.broadcast %lt3A_60 : i32 to vector<16xi32>
        %lt3A_62 = arith.cmpi slt, %broadcast_in_dim3A_17, %lt3A_61 : vector<16xi32>
        %add3A_63 = arith.constant 16 : i32
        %add3A_64 = vector.broadcast %add3A_63 : i32 to vector<16xi32>
        %add3A_65 = arith.addi %broadcast_in_dim3A_17, %add3A_64 : vector<16xi32>
        %select_n3A_66 = arith.select %lt3A_62, %add3A_65, %broadcast_in_dim3A_17 : vector<16xi1>, vector<16xi32>
        %broadcast_in_dim3A_67 = vector.shape_cast %select_n3A_66 : vector<16xi32> to vector<16x1xi32>
        %gather3A_68 = vector.shape_cast %broadcast_in_dim3A_67 : vector<16x1xi32> to vector<16xi32>
        %gather3A_69 = tpu.dynamic_gather %get3A_41[%gather3A_68] in [0] : vector<16xi32>, vector<16xi32> -> vector<16xi32>
        %lt3A_70 = arith.cmpi slt, %gather3A_69, %broadcast_in_dim3A_7 : vector<16xi32>
        %lt3A_71 = arith.constant 0 : i32
        %lt3A_72 = vector.broadcast %lt3A_71 : i32 to vector<16xi32>
        %lt3A_73 = arith.cmpi slt, %select_n3A_59, %lt3A_72 : vector<16xi32>
        %and3A_74 = arith.andi %lt3A_73, %lt3A_70 : vector<16xi1>
        %reduce_or3A = arith.constant 1.000000e+00 : f32
        %reduce_or3A_75 = arith.constant 0.000000e+00 : f32
        %reduce_or3A_76 = vector.broadcast %reduce_or3A : f32 to vector<16xf32>
        %reduce_or3A_77 = vector.broadcast %reduce_or3A_75 : f32 to vector<16xf32>
        %reduce_or3A_78 = arith.select %and3A_74, %reduce_or3A_76, %reduce_or3A_77 : vector<16xi1>, vector<16xf32>
        %reduce_or3A_79 = arith.constant true
        %reduce_or3A_80 = vector.broadcast %reduce_or3A_79 : i1 to vector<16xi1>
        %reduce_or3A_81 = tpu.scan <max>, %reduce_or3A_78 masked %reduce_or3A_80 : vector<16xf32>, vector<16xi1> -> vector<16xf32>
        %reduce_or3A_82 = vector.extract %reduce_or3A_81[15] : f32 from vector<16xf32>
        %reduce_or3A_83 = arith.constant 0.000000e+00 : f32
        %reduce_or3A_84 = arith.cmpf ogt, %reduce_or3A_82, %reduce_or3A_83 : f32
        %convert_element_type3A_85 = arith.extui %reduce_or3A_84 : i1 to i32
        %cond3A_86 = arith.constant 0 : i32
        %cond3A_87 = arith.cmpi ne, %convert_element_type3A_85, %cond3A_86 : i32
        %cond3A_88 = scf.if %cond3A_87 -> (vector<16xi32>) {
          %broadcast_in_dim3A_105 = arith.constant -1 : i32
          %broadcast_in_dim3A_106 = vector.broadcast %broadcast_in_dim3A_105 : i32 to vector<16xi32>
          %scan3A_107 = arith.constant 1 : i32
          %scan3A_108 = arith.constant 12 : i32
          %scan3A_109 = arith.addi %scan3A_107, %scan3A_108 : i32
          %scan3A_110 = arith.constant 1 : i32
          %scan3A_111 = scf.for %scan3A_113 = %scan3A_107 to %scan3A_109 step %scan3A_110 iter_args(%scan3A_114 = %broadcast_in_dim3A_106) -> (vector<16xi32>)  : i32 {
            %mul3A_115 = arith.constant 224 : i32
            %mul3A_116 = arith.muli %scan3A_34, %mul3A_115 : i32
            %mul3A_117 = arith.constant 16 : i32
            %mul3A_118 = arith.muli %scan3A_113, %mul3A_117 : i32
            %add3A_119 = arith.addi %mul3A_116, %mul3A_118 : i32
            %get3A_120 = arith.index_cast %add3A_119 : i32 to index
            %get3A_121 = tpu.vector_load %arg6[%get3A_120] {strides = array<i32>} : memref<50176xi32, #tpu.memory_space<vmem>>, vector<16xi32>,
            %min3A_122 = arith.minsi %get3A_121, %broadcast_in_dim3A_7 : vector<16xi32>
            %gather3A_123 = tpu.vector_load_idx %arg8[%min3A_122] : memref<20016xi32, #tpu.memory_space<vmem>>[vector<16xi32>], vector<16xi32>,
            %eq3A_124 = arith.constant 0 : i32
            %eq3A_125 = vector.broadcast %eq3A_124 : i32 to vector<16xi32>
            %eq3A_126 = arith.cmpi eq, %gather3A_123, %eq3A_125 : vector<16xi32>
            %lt3A_127 = arith.cmpi slt, %get3A_121, %broadcast_in_dim3A_7 : vector<16xi32>
            %and3A_128 = arith.andi %eq3A_126, %lt3A_127 : vector<16xi1>
            %all_reduce_ffs3A_129 = tpu.all_reduce %and3A_128 {dim = 0 : i64, kind = #tpu.reduction_kind<find_first_set>} : vector<16xi1> -> vector<16xi32>
            %min3A_130 = arith.minsi %all_reduce_ffs3A_129, %broadcast_in_dim3A_17 : vector<16xi32>
            %lt3A_131 = arith.constant 0 : i32
            %lt3A_132 = vector.broadcast %lt3A_131 : i32 to vector<16xi32>
            %lt3A_133 = arith.cmpi slt, %min3A_130, %lt3A_132 : vector<16xi32>
            %add3A_134 = arith.constant 16 : i32
            %add3A_135 = vector.broadcast %add3A_134 : i32 to vector<16xi32>
            %add3A_136 = arith.addi %min3A_130, %add3A_135 : vector<16xi32>
            %select_n3A_137 = arith.select %lt3A_133, %add3A_136, %min3A_130 : vector<16xi1>, vector<16xi32>
            %broadcast_in_dim3A_138 = vector.shape_cast %select_n3A_137 : vector<16xi32> to vector<16x1xi32>
            %gather3A_139 = vector.shape_cast %broadcast_in_dim3A_138 : vector<16x1xi32> to vector<16xi32>
            %gather3A_140 = tpu.dynamic_gather %get3A_121[%gather3A_139] in [0] : vector<16xi32>, vector<16xi32> -> vector<16xi32>
            %lt3A_141 = arith.constant 16 : i32
            %lt3A_142 = vector.broadcast %lt3A_141 : i32 to vector<16xi32>
            %lt3A_143 = arith.cmpi slt, %all_reduce_ffs3A_129, %lt3A_142 : vector<16xi32>
            %jit3A_144 = arith.constant -1 : i32
            %broadcast_in_dim3A_145 = vector.broadcast %jit3A_144 : i32 to vector<16xi32>
            %select_n3A_146 = arith.select %lt3A_143, %gather3A_140, %broadcast_in_dim3A_145 : vector<16xi1>, vector<16xi32>
            %ge3A_147 = arith.constant 0 : i32
            %ge3A_148 = vector.broadcast %ge3A_147 : i32 to vector<16xi32>
            %ge3A_149 = arith.cmpi sge, %scan3A_114, %ge3A_148 : vector<16xi32>
            %select_n3A_150 = arith.select %ge3A_149, %scan3A_114, %select_n3A_146 : vector<16xi1>, vector<16xi32>
            scf.yield %select_n3A_150 : vector<16xi32>
          }
          %scan3A_112 = arith.constant 12 : i32
          scf.yield %scan3A_111 : vector<16xi32>
        } else {
          scf.yield %select_n3A_59 : vector<16xi32>
        }
        %ge3A = arith.constant 0 : i32
        %ge3A_89 = vector.broadcast %ge3A : i32 to vector<16xi32>
        %ge3A_90 = arith.cmpi sge, %cond3A_88, %ge3A_89 : vector<16xi32>
        %max3A = arith.constant 0 : i32
        %max3A_91 = vector.broadcast %max3A : i32 to vector<16xi32>
        %max3A_92 = arith.maxsi %cond3A_88, %max3A_91 : vector<16xi32>
        %and3A_93 = arith.andi %eq3A_15, %ge3A_90 : vector<16xi1>
        tpu.vector_store_idx %arg8[%max3A_92], %broadcast_in_dim3A_5 masked %and3A_93 : memref<20016xi32, #tpu.memory_space<vmem>>[vector<16xi32>], vector<16xi32>, vector<16xi1>
        %gather3A_94 = tpu.vector_load_idx %arg7[%max3A_92] : memref<20000xf32, #tpu.memory_space<vmem>>[vector<16xi32>], vector<16xf32>,
        %mul3A_95 = arith.constant 16 : i32
        %mul3A_96 = arith.muli %scan3A_34, %mul3A_95 : i32
        %swap3A = arith.index_cast %mul3A_96 : i32 to index
        %swap3A_97 = tpu.vector_load %arg9[%swap3A] {strides = array<i32>} : memref<3584xi32, #tpu.memory_space<vmem>>, vector<16xi32>,
        tpu.vector_store %arg9[%swap3A], %cond3A_88 {strides = array<i32>} : memref<3584xi32, #tpu.memory_space<vmem>>, vector<16xi32>,
        %jit3A_98 = arith.constant 0.000000e+00 : f32
        %broadcast_in_dim3A_99 = vector.broadcast %jit3A_98 : f32 to vector<16xf32>
        %select_n3A_100 = arith.select %ge3A_90, %gather3A_94, %broadcast_in_dim3A_99 : vector<16xi1>, vector<16xf32>
        %mul3A_101 = arith.constant 16 : i32
        %mul3A_102 = arith.muli %scan3A_34, %mul3A_101 : i32
        %swap3A_103 = arith.index_cast %mul3A_102 : i32 to index
        %swap3A_104 = tpu.vector_load %arg10[%swap3A_103] {strides = array<i32>} : memref<3584xf32, #tpu.memory_space<vmem>>, vector<16xf32>,
        tpu.vector_store %arg10[%swap3A_103], %select_n3A_100 {strides = array<i32>} : memref<3584xf32, #tpu.memory_space<vmem>>, vector<16xf32>,
      }
      %scan3A_33 = arith.constant 200 : i32
      "tpu.region"() ({
        %run_scoped3A = tpu.sem_alloc : memref<!tpu.dma_semaphore, #tpu.memory_space<semaphore_mem>>
        tpu.enqueue_dma source(%arg9 : memref<3584xi32, #tpu.memory_space<vmem>>) target(%arg4 : memref<3584xi32, #tpu.memory_space<hbm>>) target_semaphore(%run_scoped3A : memref<!tpu.dma_semaphore, #tpu.memory_space<semaphore_mem>>)
        tpu.wait_dma2 semaphore(%run_scoped3A : memref<!tpu.dma_semaphore, #tpu.memory_space<semaphore_mem>>) src(%arg9 : memref<3584xi32, #tpu.memory_space<vmem>>) dst(%arg4 : memref<3584xi32, #tpu.memory_space<hbm>>)
        tpu.yield
      }) : () -> ()
      "tpu.region"() ({
        %run_scoped3A = tpu.sem_alloc : memref<!tpu.dma_semaphore, #tpu.memory_space<semaphore_mem>>
        tpu.enqueue_dma source(%arg10 : memref<3584xf32, #tpu.memory_space<vmem>>) target(%arg5 : memref<3584xf32, #tpu.memory_space<hbm>>) target_semaphore(%run_scoped3A : memref<!tpu.dma_semaphore, #tpu.memory_space<semaphore_mem>>)
        tpu.wait_dma2 semaphore(%run_scoped3A : memref<!tpu.dma_semaphore, #tpu.memory_space<semaphore_mem>>) src(%arg10 : memref<3584xf32, #tpu.memory_space<vmem>>) dst(%arg5 : memref<3584xf32, #tpu.memory_space<hbm>>)
        tpu.yield
      }) : () -> ()
    } else {
    }
    return
  }
}

</mosaic_0001>

<sc_bundles>
// kernel: kernel.12.cloned.1.call-start
scs
__scs_entry_jumppad:
0x0: {  	(pc) =	sbr.rel $0x88, $3  }
0x1: {  	(tag) =	ssettag $0x0;
	lr =	simm.s32 $0x1  }
0x2: {  	[smem:$0x3F9E] =	sst lr;
	_ =	strace $0xD0000000  }
0x3: {  	_ = 	snop  }
0x4: {  	_ = 	snop  }
0x5: {  	_ = 	snop  }
0x6: {  	_ = 	snop  }
0x7: {  	_ = 	snop  }
__scs_overlays_trampoline_lowered:
0x8: {  	[smem:$0x3FAD] =	sst s0  }
0x9: {  	[smem:$0x3FAE] =	sst s1  }
0xa: {  	[smem:$0x3FAF] =	sst s2  }
0xb: {  	[smem:$0x3FB0] =	sst s3  }
0xc: {  	[smem:$0x3FB1] =	sst s4  }
0xd: {  	[smem:$0x3FB2] =	sst s5  }
0xe: {  	[smem:$0x3FB3] =	sst s6  }
0xf: {  	[smem:$0x3FB4] =	sst s7  }
0x10: {  	[smem:$0x3FB5] =	sst s8  }
0x11: {  	[smem:$0x3FB6] =	sst s9;
	s0 =	simm.s32 @!p0 $0x0  }
0x12: {  	s1 =	sld [smem:$0x3F9C];
	s0 =	simm.s32 @p0 $0x1  }
0x13: {  	[smem:$0x3FB7] =	sst s0;
	s0 =	simm.s32 @!p1 $0x0  }
0x14: {  	s2 =	sld [smem:$0x3F9B];
	s0 =	simm.s32 @p1 $0x1  }
0x15: {  	[smem:$0x3FB8] =	sst s0;
	s0 =	simm.s32 @!p2 $0x0  }
0x16: {  	s3 =	sld [smem:$0x3FDB];
	s0 =	simm.s32 @p2 $0x1  }
0x17: {  	s4 =	simm.s32 $0x1BF5;
	[smem:$0x3FBA] =	sst s0  }
0x18: {  	s0 =	sld [smem:$0x3F9D];
	_ =	swait.ge [sflag:s4], $0x0  }
0x19: {  	s7 =	sld [smem:$0x3F9E]  }
0x1a: {  	s8 =	sadd.s32 $0xFFFFE003, lr  }
0x1b: {  	s9 =	sadd.s32 $0xFFFFFEF7, lr;
	s5 =	simm.s32 $0xFFFFFFFF;
	p2 =	slt.u32 s8, $0xFFFFF086  }
0x1c: {  	p1 =	slt.u32 s9, $0xF7A;
	s5 =	simm.s32 @!p2 $0x0  }
0x1d: {  	s5 =	simm.s32 @p1 $0x1;
	p0 =	seq.s32 s7, s2  }
0x1e: {  	s7 =	smul.u32 @!p0 $0xF7A, s2;
	p2 =	seq.s32 @!p0 s5, $0x0  }
0x1f: {  	s9 =	smul.u32 $0xF7A, s1;
	s8 =	simm.s32 @!p0 $0x1BF5;
	p2 =	por !p2, p0  }
0x20: {  	[sflag:s8] =	ssyncset.s32 @!p0 $0xFFFFF086;
	s6 =	sadd.s32 @!p0 s3, s7;
	s7 =	simm.s32 @!p0 $0x108  }
0x21: {  	s3 =	sadd.s32 s3, s9;
	s6 =	sadd.s32 @!p0 $0x88, s6;
	s7 =	simm.s32 @p2 $0x1082  }
0x22: {  	[simem:s7], [sflag:s8] =	dma.local @!p0 [hbm:s6], $0xF7A  }
0x23: {  	s9 =	sor.u32 $0xD0000000, s2;
	s6 =	simm.s32 $0x108;
	_ =	swait.ge @!p0 [sflag:s8], $0x0  }
0x24: {  	s3 =	sadd.s32 $0x88, s3;
	s6 =	simm.s32 @!p1 $0x1082;
	[sflag:s4] =	ssyncset.s32 $0xFFFFF086  }
0x25: {  	[simem:s6], [sflag:s4] =	dma.local [hbm:s3], $0xF7A  }
0x26: {  	[smem:$0x3F9E] =	sst s1;
	(tag) =	ssettag s2;
	_ =	strace s9  }
0x27: {  	s1 =	sld [smem:$0x3FAE]  }
0x28: {  	s2 =	sld [smem:$0x3FAF]  }
0x29: {  	s4 =	sld [smem:$0x3FB1]  }
0x2a: {  	p0 =	seq.s32 s5, $0x0;
	s5 =	sld [smem:$0x3FB2]  }
0x2b: {  	s6 =	sld [smem:$0x3FB3]  }
0x2c: {  	s7 =	sld [smem:$0x3FB4]  }
0x2d: {  	s3 =	simm.s32 $0x108;
	s8 =	sld [smem:$0x3FB5]  }
0x2e: {  	s3 =	simm.s32 @!p0 $0x1082;
	s9 =	sld [smem:$0x3FB6]  }
0x2f: {  	lr =	sadd.s32 s0, s3;
	s0 =	sld [smem:$0x3FAD]  }
0x30: {  	s3 =	sld [smem:$0x3FB0]  }
0x31: {  	[smem:$0x3FB9] =	sst s10  }
0x32: {  	s10 =	sld [smem:$0x3FB7];
	_ =	sdelay $0x3  }
0x33: {  	p0 =	seq.s32 s10, $0x1;
	s10 =	sld [smem:$0x3FB9];
	_ =	sdelay $0x3  }
0x34: {  	[smem:$0x3FB9] =	sst s10  }
0x35: {  	s10 =	sld [smem:$0x3FB8];
	_ =	sdelay $0x3  }
0x36: {  	p1 =	seq.s32 s10, $0x1;
	s10 =	sld [smem:$0x3FB9];
	_ =	sdelay $0x3  }
0x37: {  	[smem:$0x3FB9] =	sst s10  }
0x38: {  	s10 =	sld [smem:$0x3FBA]  }
0x39: {  	_ = 	snop;
	(pc) =	sbr.ind lr, $3  }
0x3a: {  	_ = 	snop  }
0x3b: {  	_ = 	snop  }
0x3c: {  	p2 =	seq.s32 s10, $0x1;
	s10 =	sld [smem:$0x3FB9]  }
0x3d: {  	_ =	shalt  }
0x3e: {  	_ =	shalt  }
0x3f: {  	_ =	shalt  }
0x40: {  	_ =	shalt  }
0x41: {  	_ =	shalt  }
0x42: {  	_ =	shalt  }
0x43: {  	_ =	shalt  }
0x44: {  	_ =	shalt  }
0x45: {  	_ =	shalt  }
0x46: {  	_ =	shalt  }
0x47: {  	_ =	shalt  }
0x48: {  	_ =	shalt  }
0x49: {  	_ =	shalt  }
0x4a: {  	_ =	shalt  }
0x4b: {  	_ =	shalt  }
0x4c: {  	_ =	shalt  }
0x4d: {  	_ =	shalt  }
0x4e: {  	_ =	shalt  }
0x4f: {  	_ =	shalt  }
0x50: {  	_ =	shalt  }
0x51: {  	_ =	shalt  }
0x52: {  	_ =	shalt  }
0x53: {  	_ =	shalt  }
0x54: {  	_ =	shalt  }
0x55: {  	_ =	shalt  }
0x56: {  	_ =	shalt  }
0x57: {  	_ =	shalt  }
0x58: {  	_ =	shalt  }
0x59: {  	_ =	shalt  }
0x5a: {  	_ =	shalt  }
0x5b: {  	_ =	shalt  }
0x5c: {  	_ =	shalt  }
0x5d: {  	_ =	shalt  }
0x5e: {  	_ =	shalt  }
0x5f: {  	_ =	shalt  }
0x60: {  	_ =	shalt  }
0x61: {  	_ =	shalt  }
0x62: {  	_ =	shalt  }
0x63: {  	_ =	shalt  }
0x64: {  	_ =	shalt  }
0x65: {  	_ =	shalt  }
0x66: {  	_ =	shalt  }
0x67: {  	_ =	shalt  }
0x68: {  	_ =	shalt  }
0x69: {  	_ =	shalt  }
0x6a: {  	_ =	shalt  }
0x6b: {  	_ =	shalt  }
0x6c: {  	_ =	shalt  }
0x6d: {  	_ =	shalt  }
0x6e: {  	_ =	shalt  }
0x6f: {  	_ =	shalt  }
0x70: {  	_ =	shalt  }
0x71: {  	_ =	shalt  }
0x72: {  	_ =	shalt  }
0x73: {  	_ =	shalt  }
0x74: {  	_ =	shalt  }
0x75: {  	_ =	shalt  }
0x76: {  	_ =	shalt  }
0x77: {  	_ =	shalt  }
0x78: {  	_ =	shalt  }
0x79: {  	_ =	shalt  }
0x7a: {  	_ =	shalt  }
0x7b: {  	_ =	shalt  }
0x7c: {  	_ =	shalt  }
0x7d: {  	_ =	shalt  }
0x7e: {  	_ =	shalt  }
0x7f: {  	_ =	shalt  }
0x80: {  	_ =	shalt  }
0x81: {  	_ =	shalt  }
0x82: {  	_ =	shalt  }
0x83: {  	_ =	shalt  }
0x84: {  	_ =	shalt  }
0x85: {  	_ =	shalt  }
0x86: {  	_ =	shalt  }
0x87: {  	_ =	shalt  }
.Lfunc_end0:
.L_simem_size_0:
called_computation.2_lowered:
.L_overlay_start_0:
0x88: {  	s2 =	sld [smem:$0x3FD9]  }
0x89: {  	s3 =	sld [smem:$0x3FFE];
	_ =	sdelay $0x1  }
0x8a: {  	s1 =	srdreg.scid  }
0x8b: {  	s0 =	sand.u32 $0x1, s1  }
0x8c: {  	s17 =	sshll.u32 s0, $0xA;
	s2 =	sadd.s32 s3, s2  }
0x8d: {  	s2 =	sadd.s32 s2, s17  }
0x8e: {  	[smem:$0x3FC5] =	sst s2  }
0x8f: {  	_ = 	snop  }
0x90: {  	s2 =	sld [smem:$0x3FC9];
	(tm) =	ssettm $0x1  }
0x91: {  	s18 =	sld [smem:$0x3FFB];
	_ =	sdelay $0x3  }
0x92: {  	_ =	strace s18  }
0x93: {  	s3 =	sld [smem:$0x3FFC];
	_ =	sdelay $0x3  }
0x94: {  	_ =	strace s3  }
0x95: {  	s3 =	sld [smem:$0x3FFD];
	_ =	sdelay $0x3  }
0x96: {  	_ =	strace s3  }
0x97: {  	_ =	strace $0x8FFFFFFF  }
0x98: {  	s19 =	sld [smem:$0x3FDB];
	_ =	sdelay $0x1  }
0x99: {  	s4 =	simm.s32 $_scs_section_size  }
0x9a: {  	s5 =	simm.s32 $_size__tile_overlayer_lowered;
	s6 =	simm.s32 $_tile_overlayer_lowered  }
0x9b: {  	s22 =	simm.s32 $0x1BFF;
	s21 =	sshll.u32 s6, $0x1;
	s3 =	sadd.s32 s4, s19  }
0x9c: {  	s7 =	simm.s32 $0x0;
	s20 =	sshll.u32 s5, $0x1;
	s5 =	sadd.s32 s21, s3  }
0x9d: {  	[timem:s7], [sflag:s22] =	dma.local [hbm:s5], s20  }
0x9e: {  	_ =	swait.ge [sflag:s22], s20  }
0x9f: {  	s4 =	ssub.s32 $0x0, s20;
	[sflag:s22] =	ssyncset.done $0x0  }
0xa0: {  	[sflag:s22] =	ssyncadd.s32 s4;
	_ =	sdelay $0x1  }
0xa1: {  	s23 =	simm.s32 $0x1B8B  }
0xa2: {  	_ =	swait.ge [sflag:s23], $0x1  }
0xa3: {  	[sflag:s23] =	ssyncset.done $0x0  }
0xa4: {  	s25 =	simm.s32 $0x1B8E;
	s24 =	sld [smem:$0x3FFE];
	[sflag:s23] =	ssyncadd.s32 $0xFFFFFFFF  }
0xa5: {  	s26 =	simm.s32 $execute0_lowered;
	[smem:$0x3FD2] =	sst s25  }
0xa6: {  	s5 =	sshll.u32 s26, $0x1;
	_ =	strace $0x8000004C;
	[dreg:$0x1] =	wrdreg $0xFFFFFFFF  }
0xa7: {  	s28 =	simm.s32 $_size_execute0_lowered;
	s3 =	sadd.s32 s3, s5;
	[dreg:$0x0] =	wrdreg $0x0  }
0xa8: {  	s5 =	sshll.u32 s28, $0x1;
	[dreg:$0x2] =	wrdreg s3  }
0xa9: {  	[dreg:$0x3] =	wrdreg s5  }
0xaa: {  	[dreg:$0x4] =	wrdreg $0xC0  }
0xab: {  	_ =	task [dreg:s7], $0x5FFFF  }
0xac: {  	[dreg:$0x1] =	wrdreg $0xFFFFFFFF  }
0xad: {  	[dreg:$0x0] =	wrdreg $0x60  }
0xae: {  	[dreg:$0x2] =	wrdreg s2  }
0xaf: {  	[dreg:$0x3] =	wrdreg s24  }
0xb0: {  	[dreg:$0x4] =	wrdreg $0x9  }
0xb1: {  	_ =	task.clear_ibuf [dreg:s7], $0x5FFFF;
	_ =	strace $0x9000004C  }
0xb2: {  	s29 =	simm.s32 $0x9;
	_ =	strace $0x8000004E  }
0xb3: {  	_ =	swait.ge [sflag:s29], $0x1  }
0xb4: {  	[sflag:s29] =	ssyncadd.s32 $0xFFFFFFFF  }
0xb5: {  	_ =	strace $0x9000004E  }
0xb6: {  	_ =	sfence  }
0xb7: {  	s30 =	sld [smem:$0x0];
	_ =	sdelay $0x2  }
0xb8: {  	s31 =	sshll.u32 s1, $0xD;
	s1 =	sshrl.u32 s1, $0x2  }
0xb9: {  	s3 =	sand.u32 $0x4000, s31;
	s1 =	sadd.s32 s1, s30  }
0xba: {  	s0 =	sor.u32 s3, s0;
	s1 =	sshll.u32 s1, $0x11  }
0xbb: {  	s0 =	sor.u32 s1, s0  }
0xbc: {  	s0 =	sadd.s32 $0x8F2B, s0  }
0xbd: {  	[sflag:s0] =	ssyncadd.remote.s32 $0x1  }
0xbe: {  	_ =	sfence.sel $0xFFFF  }
0xbf: {  	[dreg:$0x0] =	wrdreg $0xFFFFFFFF;
	(pc) =	sbr.abs _section_cstart, $3  }
0xc0: {  	[dreg:$0x1] =	wrdreg $0xFFFFFFFF  }
0xc1: {  	_ =	task.clear_ibuf [dreg:s7], $0x2FFFF;
	_ =	strace $0x9FFFFFFF  }
0xc2: {  	(tm) =	ssettm $0x7FFFFFFF  }
0xc3: {  	_ =	shalt  }
tec
execute0_lowered:
.L_overlay_start_1:
0x0: {  	(tag) =	ssettag $0x1  }
0x1: {  	s2 =	rddreg [dreg:$0x0];
	s1 =	srdreg.scid  }
0x2: {  	s0 =	stileid.u32;
	s4 =	rddreg [dreg:$0x1];
	s3 =	simm.s32 $0x0  }
0x3: {  	s9 =	simm.s32 $0x4E80;
	s5 =	sand.u32 $0x1, s1;
	s6 =	sshll.u32 s0, $0x1  }
0x4: {  	s10 =	simm.s32 $0x4F00;
	s11 =	simm.s32 $0x4F80;
	s6 =	sor.u32 s5, s6  }
0x5: {  	s12 =	simm.s32 $0x0;
	[smem:$0x7FF] =	sst s3;
	s7 =	smul.u32 $0xE, s6  }
0x6: {  	v0 =	vlaneseq.u32;
	s1 =	rddreg [dreg:$0x2];
	s5 =	ssub.s32 $0x2, s5;
	_ =	strace $0x8000004D  }
0x7: {  	v1 =	vimm.s32 $0x0;
	v2 =	vimm.s32 $0x1;
	v3 =	vimm.s32 $0x2;
	s8 =	sshrl.u32 s5, $0x1;
	s6 =	sadd.s32 s6, s4;
	s7 =	sadd.s32 s7, s4  }
0x8: {  	v4 =	vimm.s32 $0x3;
	v5 =	vimm.s32 $0x4;
	v6 =	vimm.s32 $0x5;
	s8 =	ssub.s32 s5, s8;
	s6 =	sadd.s32 $0x1400, s6;
	s4 =	sadd.s32 $0x1000, s7  }
0x9: {  	v7 =	vimm.s32 $0x6;
	v8 =	vimm.s32 $0x7;
	v9 =	vimm.s32 $0x40000000;
	s5 =	sadd.s32 $0x1200, s7;
	s7 =	smax.u32 s8, $0x1;
	s8 =	simm.s32 $0x1  }
.LBB2_1:
0xa: {  	[tilespmem:s3], [sflag:$0x1] =	stream.linear.gather [hbm4b:s2+s3], $0x4E80, $0x38;
	[tilespmem:$0x5000] =	vst v63  }
0xb: {  	_ =	swait.ge [sflag:s8], $0x4E80  }
0xc: {  	[sflag:s8] =	ssyncset.done $0x0  }
0xd: {  	[sflag:s8] =	ssyncadd.s32 $0xFFFFB180  }
0xe: {  	[tilespmem:s9], [sflag:$0x1] =	stream.linear.gather [hbm4b:s4+s3], $0x70, $0x38;
	[tilespmem:$0x5000] =	vst v63  }
0xf: {  	_ =	swait.ge [sflag:s8], $0x70  }
0x10: {  	[sflag:s8] =	ssyncset.done $0x0  }
0x11: {  	[sflag:s8] =	ssyncadd.s32 $0xFFFFFF90  }
0x12: {  	[tilespmem:s10], [sflag:$0x1] =	stream.linear.gather [hbm4b:s5+s3], $0x70, $0x38;
	[tilespmem:$0x5000] =	vst v63  }
0x13: {  	_ =	swait.ge [sflag:s8], $0x70  }
0x14: {  	[sflag:s8] =	ssyncset.done $0x0  }
0x15: {  	[sflag:s8] =	ssyncadd.s32 $0xFFFFFF90  }
0x16: {  	v18 =	vld [tilespmem:$0x4E90]  }
0x17: {  	v14 =	vld [tilespmem:$0x4EA0]  }
0x18: {  	v10 =	vld [tilespmem:$0x4EE0]  }
0x19: {  	v23 =	vld [tilespmem:$0x4F00]  }
0x1a: {  	v22 =	vld [tilespmem:$0x4F10]  }
0x1b: {  	v21 =	vld [tilespmem:$0x4F20]  }
0x1c: {  	v24 =	vld [tilespmem:$0x4F60]  }
0x1d: {  	v25 =	vld [tilespmem:s3+$0x0]  }
0x1e: {  	v19 =	vld [tilespmem:$0x4F30]  }
0x1f: {  	v15 =	vld [tilespmem:$0x4F50]  }
0x20: {  	v26 =	vor.u32 s3, v0;
	v16 =	vld [tilespmem:$0x4EB0]  }
0x21: {  	v27 =	vimm.s32 $0x0;
	v28 =	vimm.s32 $0x0;
	v30 =	vimm.s32 $0x0;
	v13 =	vld [tilespmem:$0x4EC0]  }
0x22: {  	v31 =	vimm.s32 $0x0;
	v29 =	vimm.s32 $0x0;
	v17 =	vld [tilespmem:$0x4F40];
	vm0 =	veq.f32 v25, v23  }
0x23: {  	vm1 =	veq.f32 v25, v24;
	vm2 =	vlt.s32 v26, v10;
	vm3 =	veq.f32 v25, v22  }
0x24: {  	vm4 =	vgt.f32 v25, v24;
	vm5 =	veq.f32 v25, v19;
	vm6 =	veq.f32 v25, v15  }
0x25: {  	v20 =	vld [tilespmem:$0x4E80];
	vm7 =	vlt.s32 v26, v18;
	vm8 =	vlt.s32 v26, v14;
	vm9 =	vlt.s32 v26, v16  }
0x26: {  	vm10 =	vlt.s32 v26, v13;
	vm12 =	vgt.f32 v25, v22;
	vm13 =	vgt.f32 v25, v21  }
0x27: {  	v11 =	vld [tilespmem:$0x4ED0];
	vm14 =	vgt.f32 v25, v19;
	vm15 =	vgt.f32 v25, v17;
	vm11 =	vgt.f32 v25, v15  }
0x28: {  	vm1 =	vmand vm2, vm1;
	vm2 =	veq.f32 v25, v21;
	vm5 =	vmand vm9, vm5  }
0x29: {  	vm1 =	vmor vm4, vm1;
	vm4 =	veq.f32 v25, v17;
	vm2 =	vmand vm8, vm2  }
0x2a: {  	v12 =	vsel vm1, $0x1, v1;
	vm1 =	vlt.s32 v26, v20;
	vm4 =	vmand vm10, vm4  }
0x2b: {  	v12 =	vadd.s32 v12, v1;
	vm0 =	vmand vm1, vm0;
	vm1 =	vmand vm7, vm3  }
0x2c: {  	vm3 =	vlt.s32 v26, v11;
	vm7 =	vgt.f32 v25, v23;
	v26 =	vimm.s32 $0x0  }
0x2d: {  	vm3 =	vmand vm3, vm6;
	vm7 =	vmor vm7, vm0;
	vm8 =	vmor vm12, vm1  }
0x2e: {  	s13 =	simm.s32 $0x10;
	vm0 =	vmor vm13, vm2;
	vm1 =	vmor vm14, vm5;
	vm2 =	vmor vm15, vm4  }
0x2f: {  	s14 =	simm.s32 $0x20;
	s15 =	simm.s32 $0x10;
	v25 =	vld [tilespmem:s13+$0x0];
	v32 =	vsel vm7, $0x1, v1;
	v33 =	vsel vm8, $0x1, v1;
	vm3 =	vmor vm11, vm3  }
.LBB2_2:
0x30: {  	p0 =	sne.s32 s14, $0x4E10;
	v34 =	vsel vm0, $0x1, v1;
	v35 =	vsel vm1, $0x1, v1;
	v36 =	vsel vm2, $0x1, v1  }
0x31: {  	v27 =	vadd.s32 v32, v27;
	v28 =	vadd.s32 v33, v28;
	v32 =	vsel vm3, $0x1, v1  }
0x32: {  	v26 =	vadd.s32 v34, v26;
	v30 =	vadd.s32 v35, v30;
	v31 =	vadd.s32 v36, v31  }
0x33: {  	v33 =	vor.u32 s13, v0;
	s13 =	smov.u32 s14;
	v29 =	vadd.s32 v32, v29  }
0x34: {  	vm2 =	vlt.s32 v33, v10;
	vm0 =	veq.f32 v25, v23;
	vm1 =	veq.f32 v25, v24  }
0x35: {  	vm3 =	veq.f32 v25, v22;
	vm4 =	vgt.f32 v25, v24;
	vm1 =	vmand vm2, vm1  }
0x36: {  	vm5 =	veq.f32 v25, v19;
	vm2 =	veq.f32 v25, v21;
	vm1 =	vmor vm4, vm1  }
0x37: {  	vm6 =	veq.f32 v25, v15;
	vm4 =	veq.f32 v25, v17;
	v32 =	vsel vm1, $0x1, v1  }
0x38: {  	vm7 =	vlt.s32 v33, v18;
	vm1 =	vlt.s32 v33, v20;
	v12 =	vadd.s32 v32, v12  }
0x39: {  	vm8 =	vlt.s32 v33, v14;
	vm9 =	vlt.s32 v33, v16;
	vm10 =	vlt.s32 v33, v13  }
0x3a: {  	vm0 =	vmand vm1, vm0;
	vm1 =	vmand vm7, vm3;
	vm3 =	vlt.s32 v33, v11  }
0x3b: {  	vm5 =	vmand vm9, vm5;
	vm2 =	vmand vm8, vm2;
	vm4 =	vmand vm10, vm4  }
.Ltmp0:
0x3c: {  	vm8 =	vgt.f32 v25, v22;
	vm7 =	vgt.f32 v25, v23;
	vm3 =	vmand vm3, vm6;
	(pc) =	sbr.rel @p0 .LBB2_2-.Ltmp0, $4  }
0x3d: {  	vm9 =	vgt.f32 v25, v19;
	vm10 =	vgt.f32 v25, v17;
	vm6 =	vgt.f32 v25, v21  }
0x3e: {  	vm11 =	vgt.f32 v25, v15;
	vm7 =	vmor vm7, vm0;
	vm8 =	vmor vm8, vm1  }
0x3f: {  	s15 =	sadd.s32 $0x10, s15;
	vm1 =	vmor vm9, vm5;
	vm0 =	vmor vm6, vm2;
	vm2 =	vmor vm10, vm4  }
0x40: {  	s14 =	sadd.s32 $0x10, s14;
	v32 =	vsel vm7, $0x1, v1;
	v33 =	vsel vm8, $0x1, v1;
	vm3 =	vmor vm11, vm3;
	v25 =	vld [tilespmem:s15+$0x0]  }
0x41: {  	v34 =	vsel vm0, $0x1, v1  }
0x42: {  	v35 =	vsel vm1, $0x1, v1;
	v36 =	vsel vm2, $0x1, v1;
	v27 =	vadd.s32 v32, v27  }
0x43: {  	v28 =	vadd.s32 v33, v28;
	v42 =	vsel vm3, $0x1, v1;
	v43 =	vor.u32 s13, v0  }
0x44: {  	v45 =	vxor.u32 $0x80000000, v20;
	v48 =	vxor.u32 $0x80000000, v18;
	v50 =	vxor.u32 $0x80000000, v14  }
0x45: {  	v52 =	vxor.u32 $0x80000000, v16;
	v56 =	vxor.u32 $0x80000000, v13;
	v26 =	vadd.s32 v34, v26  }
0x46: {  	v30 =	vadd.s32 v35, v30;
	v31 =	vadd.s32 v36, v31;
	v29 =	vadd.s32 v42, v29  }
0x47: {  	vm14 =	vlt.s32 v43, v10;
	vm8 =	vlt.s32 v43, v20;
	vm9 =	vlt.s32 v43, v18  }
0x48: {  	vm10 =	vlt.s32 v43, v14;
	v10 =	vxor.u32 $0x80000000, v10;
	vm12 =	veq.f32 v25, v23  }
0x49: {  	vm13 =	veq.f32 v25, v24;
	vm4 =	veq.f32 v25, v22;
	vm0 =	vgt.f32 v25, v24  }
0x4a: {  	vm15 =	veq.f32 v25, v21;
	vm5 =	veq.f32 v25, v19;
	vm6 =	veq.f32 v25, v17  }
0x4b: {  	vm7 =	veq.f32 v25, v15;
	vm2 =	vmand vm8, vm12;
	vm12 =	vgt.f32 v25, v23  }
0x4c: {  	vm11 =	vgt.f32 v25, v19;
	vm4 =	vmand vm9, vm4;
	vm2 =	vmor vm12, vm2  }
0x4d: {  	vm3 =	vmand vm10, vm15;
	vm15 =	vgt.f32 v25, v22;
	v44 =	vsel vm2, $0x1, v1  }
0x4e: {  	(xrf0) =	vmax.scan.msk.u32 $0xffff, v45;
	vm8 =	vlt.s32 v43, v16;
	vm2 =	vmor vm15, vm4;
	v46 =	vadd.s32 v44, v27  }
0x4f: {  	vm5 =	vmand vm8, vm5;
	vm8 =	vgt.f32 v25, v21;
	v47 =	vsel vm2, $0x1, v1;
	(xrf0) =	vadd.scan.msk.s32 $0xffff, v46  }
0x50: {  	vm1 =	vmand vm14, vm13;
	vm3 =	vmor vm8, vm3;
	v20 =	vadd.s32 v47, v28;
	(xrf0) =	vmax.scan.msk.u32 $0xffff, v48  }
0x51: {  	vm13 =	vlt.s32 v43, v13;
	vm14 =	vlt.s32 v43, v11;
	v49 =	vsel vm3, $0x1, v1;
	(xrf0) =	vadd.scan.msk.s32 $0xffff, v20  }
0x52: {  	v11 =	vxor.u32 $0x80000000, v11;
	vm4 =	vmor vm11, vm5;
	v18 =	vadd.s32 v49, v26;
	(xrf0) =	vmax.scan.msk.u32 $0xffff, v50  }
0x53: {  	vm10 =	vmand vm13, vm6;
	vm13 =	vgt.f32 v25, v17;
	v51 =	vsel vm4, $0x1, v1;
	(xrf0) =	vadd.scan.msk.s32 $0xffff, v18  }
0x54: {  	vm12 =	vmand vm14, vm7;
	v53, _, _ =	vpop (xrf0);
	vm2 =	vmor vm13, vm10;
	v14 =	vadd.s32 v51, v30;
	(xrf0) =	vmax.scan.msk.u32 $0xffff, v52  }
0x55: {  	vm14 =	vgt.f32 v25, v15;
	(v2sf) =	vpush v53, $0xF;
	v54 =	vsel vm2, $0x1, v1;
	v55, _, _ =	vpop (xrf0);
	(xrf0) =	vadd.scan.msk.s32 $0xffff, v14  }
0x56: {  	vm15 =	vmor vm14, vm12;
	v57 =	vadd.s32 v54, v31;
	(v2sf) =	vpush v55, $0xF;
	v58, _, _ =	vpop (xrf0);
	(xrf0) =	vmax.scan.msk.u32 $0xffff, v56  }
0x57: {  	vm0 =	vmor vm0, vm1;
	v59 =	vsel vm15, $0x1, v1;
	(v2sf) =	vpush v58, $0xF;
	v60, _, _ =	vpop (xrf0);
	(xrf0) =	vadd.scan.msk.s32 $0xffff, v57  }
0x58: {  	v13 =	vadd.s32 v59, v29;
	(v2sf) =	vpush v60, $0xF;
	v61, _, _ =	vpop (xrf0);
	(xrf0) =	vmax.scan.msk.u32 $0xffff, v11;
	v11 =	vsel vm0, $0x1, v1  }
0x59: {  	(v2sf) =	vpush v61, $0xF;
	v62, _, _ =	vpop (xrf0);
	(xrf0) =	vadd.scan.msk.s32 $0xffff, v13;
	v11 =	vadd.s32 v11, v12  }
0x5a: {  	(v2sf) =	vpush v62, $0xF;
	v63, _, _ =	vpop (xrf0);
	(xrf0) =	vmax.scan.msk.u32 $0xffff, v10  }
0x5b: {  	(v2sf) =	vpush v63, $0xF;
	v10, _, _ =	vpop (xrf0);
	(xrf0) =	vadd.scan.msk.s32 $0xffff, v11  }
0x5c: {  	v11, _, _ =	vpop (xrf0);
	(v2sf) =	vpush v10, $0xF  }
0x5d: {  	v10, _, _ =	vpop (xrf0);
	(v2sf) =	vpush v11, $0xF  }
0x5e: {  	v11, _, _ =	vpop (xrf0);
	(v2sf) =	vpush v10, $0xF  }
0x5f: {  	v10, _, _ =	vpop (xrf0);
	(v2sf) =	vpush v11, $0xF  }
0x60: {  	v11, _, _ =	vpop (xrf0);
	(v2sf) =	vpush v10, $0xF  }
0x61: {  	(v2sf) =	vpush v11, $0xF;
	v10, _, _ =	vpop (xrf0)  }
0x62: {  	(v2sf) =	vpush v10, $0xF;
	_ =	sdelay $0x1  }
0x63: {  	s28 =	spop (v2sf)  }
0x64: {  	s14 =	spop (v2sf)  }
0x65: {  	s15 =	spop (v2sf)  }
0x66: {  	s16 =	spop (v2sf)  }
0x67: {  	s17 =	spop (v2sf)  }
0x68: {  	s18 =	spop (v2sf)  }
0x69: {  	s19 =	spop (v2sf)  }
0x6a: {  	p0 =	slt.s32 s28, $0x0;
	s13 =	spop (v2sf)  }
0x6b: {  	s14 =	simm.s32 @!p0 $0x40000000;
	p0 =	slt.s32 s15, $0x0;
	s29 =	spop (v2sf)  }
0x6c: {  	v10 =	vmov s14;
	s16 =	simm.s32 @!p0 $0x40000000;
	p0 =	slt.s32 s17, $0x0;
	s14 =	spop (v2sf)  }
0x6d: {  	[tilespmem:v1+s11+$0x0] =	vst.idx.msk $0x1, v10;
	v11 =	vmov s16;
	s18 =	simm.s32 @!p0 $0x40000000;
	p0 =	slt.s32 s19, $0x0;
	s30 =	spop (v2sf)  }
0x6e: {  	[tilespmem:v2+s11+$0x0] =	vst.idx.msk $0x1, v11;
	v10 =	vmov s18;
	s13 =	simm.s32 @!p0 $0x40000000;
	p0 =	slt.s32 s29, $0x0;
	s15 =	spop (v2sf)  }
0x6f: {  	[tilespmem:v3+s11+$0x0] =	vst.idx.msk $0x1, v10;
	v11 =	vmov s13;
	s14 =	simm.s32 @!p0 $0x40000000;
	p0 =	slt.s32 s30, $0x0;
	s31 =	spop (v2sf)  }
0x70: {  	[tilespmem:v4+s11+$0x0] =	vst.idx.msk $0x1, v11;
	v10 =	vmov s14;
	s15 =	simm.s32 @!p0 $0x40000000;
	p0 =	slt.s32 s31, $0x0;
	s13 =	spop (v2sf)  }
0x71: {  	[tilespmem:v5+s11+$0x0] =	vst.idx.msk $0x1, v10;
	v11 =	vmov s15;
	s13 =	simm.s32 @!p0 $0x40000000  }
0x72: {  	s12 =	sadd.s32 $0x1, s12;
	[tilespmem:v6+s11+$0x0] =	vst.idx.msk $0x1, v11;
	v10 =	vmov s13  }
0x73: {  	p0 =	sne.s32 s12, s7;
	[tilespmem:v7+s11+$0x0] =	vst.idx.msk $0x1, v10  }
.Ltmp1:
0x74: {  	[tilespmem:v8+s11+$0x0] =	vst.idx.msk $0x1, v9;
	(pc) =	sbr.rel @p0 .LBB2_1-.Ltmp1, $4  }
0x75: {  	[hbm4b:s6+s3] =	stream.linear.scatter [tilespmem:s11], [sflag:$0x1], $0x8, $0x38;
	[tilespmem:$0x5000] =	vst v63  }
0x76: {  	_ =	swait.ge [sflag:s8], $0x8  }
0x77: {  	[sflag:s8] =	ssyncset.done $0x0  }
0x78: {  	[sflag:s8] =	ssyncadd.s32 $0xFFFFFFF8  }
0x79: {  	_ =	sfence.sel $0x180000  }
0x7a: {  	[bflag:$0x0] =	sbarrier.arrive $0xFFFF  }
0x7b: {  	p0 =	sne.s32 s0, $0x0;
	_ =	strace $0x9000004D  }
0x7c: {  	s0 =	sadd.s32 @!p0 $0x100000, s1;
	[bflag:$0x2] =	sbarrier.arrive $0xFFFF  }
0x7d: {  	[sflag:s0] =	ssyncadd.tile.s32 @!p0 $0x1;
	_ =	shalt  }
.Lfunc_end2:
_tile_overlayer_lowered:
.L_overlay_start_2:
0x7e: {  	(tag) =	ssettag $0x2  }
0x7f: {  	s0 =	rddreg [dreg:$0x0];
	s2 =	stileid.u32  }
0x80: {  	s1 =	rddreg [dreg:$0x1];
	p0 =	sne.s32 s2, $0x0  }
0x81: {  	s3 =	rddreg [dreg:$0x2];
	[bflag:$0x3] =	sbarrier.arrive $0xFFFF;
	s2 =	simm.s32 @!p0 $0x1C01  }
0x82: {  	[timem:s3], [sflag:s2] =	dma.local @!p0 [hbm:s0], s1  }
0x83: {  	s0 =	simm.s32 @!p0 $0x1  }
0x84: {  	_ =	swait.ge @!p0 [sflag:s0], s1  }
0x85: {  	s1 =	ssub.s32 @!p0 $0x0, s1;
	[sflag:s0] =	ssyncset.done @!p0 $0x0  }
0x86: {  	[sflag:s0] =	ssyncadd.s32 @!p0 s1  }
0x87: {  	[bflag:$0x3] =	sbarrier.arrive $0xFFFF  }
0x88: {  	_ =	shalt  }

// kernel: kernel.15.cloned.1.call-start
scs
__scs_entry_jumppad:
0x0: {  	(pc) =	sbr.rel $0x88, $3  }
0x1: {  	(tag) =	ssettag $0x0;
	lr =	simm.s32 $0x1  }
0x2: {  	[smem:$0x3F9E] =	sst lr;
	_ =	strace $0xD0000000  }
0x3: {  	_ = 	snop  }
0x4: {  	_ = 	snop  }
0x5: {  	_ = 	snop  }
0x6: {  	_ = 	snop  }
0x7: {  	_ = 	snop  }
__scs_overlays_trampoline_lowered:
0x8: {  	[smem:$0x3FAD] =	sst s0  }
0x9: {  	[smem:$0x3FAE] =	sst s1  }
0xa: {  	[smem:$0x3FAF] =	sst s2  }
0xb: {  	[smem:$0x3FB0] =	sst s3  }
0xc: {  	[smem:$0x3FB1] =	sst s4  }
0xd: {  	[smem:$0x3FB2] =	sst s5  }
0xe: {  	[smem:$0x3FB3] =	sst s6  }
0xf: {  	[smem:$0x3FB4] =	sst s7  }
0x10: {  	[smem:$0x3FB5] =	sst s8  }
0x11: {  	[smem:$0x3FB6] =	sst s9;
	s0 =	simm.s32 @!p0 $0x0  }
0x12: {  	s1 =	sld [smem:$0x3F9C];
	s0 =	simm.s32 @p0 $0x1  }
0x13: {  	[smem:$0x3FB7] =	sst s0;
	s0 =	simm.s32 @!p1 $0x0  }
0x14: {  	s2 =	sld [smem:$0x3F9B];
	s0 =	simm.s32 @p1 $0x1  }
0x15: {  	[smem:$0x3FB8] =	sst s0;
	s0 =	simm.s32 @!p2 $0x0  }
0x16: {  	s3 =	sld [smem:$0x3FDB];
	s0 =	simm.s32 @p2 $0x1  }
0x17: {  	s4 =	simm.s32 $0x1BF5;
	[smem:$0x3FBA] =	sst s0  }
0x18: {  	s0 =	sld [smem:$0x3F9D];
	_ =	swait.ge [sflag:s4], $0x0  }
0x19: {  	s7 =	sld [smem:$0x3F9E]  }
0x1a: {  	s8 =	sadd.s32 $0xFFFFE003, lr  }
0x1b: {  	s9 =	sadd.s32 $0xFFFFFEF7, lr;
	s5 =	simm.s32 $0xFFFFFFFF;
	p2 =	slt.u32 s8, $0xFFFFF086  }
0x1c: {  	p1 =	slt.u32 s9, $0xF7A;
	s5 =	simm.s32 @!p2 $0x0  }
0x1d: {  	s5 =	simm.s32 @p1 $0x1;
	p0 =	seq.s32 s7, s2  }
0x1e: {  	s7 =	smul.u32 @!p0 $0xF7A, s2;
	p2 =	seq.s32 @!p0 s5, $0x0  }
0x1f: {  	s9 =	smul.u32 $0xF7A, s1;
	s8 =	simm.s32 @!p0 $0x1BF5;
	p2 =	por !p2, p0  }
0x20: {  	[sflag:s8] =	ssyncset.s32 @!p0 $0xFFFFF086;
	s6 =	sadd.s32 @!p0 s3, s7;
	s7 =	simm.s32 @!p0 $0x108  }
0x21: {  	s3 =	sadd.s32 s3, s9;
	s6 =	sadd.s32 @!p0 $0x88, s6;
	s7 =	simm.s32 @p2 $0x1082  }
0x22: {  	[simem:s7], [sflag:s8] =	dma.local @!p0 [hbm:s6], $0xF7A  }
0x23: {  	s9 =	sor.u32 $0xD0000000, s2;
	s6 =	simm.s32 $0x108;
	_ =	swait.ge @!p0 [sflag:s8], $0x0  }
0x24: {  	s3 =	sadd.s32 $0x88, s3;
	s6 =	simm.s32 @!p1 $0x1082;
	[sflag:s4] =	ssyncset.s32 $0xFFFFF086  }
0x25: {  	[simem:s6], [sflag:s4] =	dma.local [hbm:s3], $0xF7A  }
0x26: {  	[smem:$0x3F9E] =	sst s1;
	(tag) =	ssettag s2;
	_ =	strace s9  }
0x27: {  	s1 =	sld [smem:$0x3FAE]  }
0x28: {  	s2 =	sld [smem:$0x3FAF]  }
0x29: {  	s4 =	sld [smem:$0x3FB1]  }
0x2a: {  	p0 =	seq.s32 s5, $0x0;
	s5 =	sld [smem:$0x3FB2]  }
0x2b: {  	s6 =	sld [smem:$0x3FB3]  }
0x2c: {  	s7 =	sld [smem:$0x3FB4]  }
0x2d: {  	s3 =	simm.s32 $0x108;
	s8 =	sld [smem:$0x3FB5]  }
0x2e: {  	s3 =	simm.s32 @!p0 $0x1082;
	s9 =	sld [smem:$0x3FB6]  }
0x2f: {  	lr =	sadd.s32 s0, s3;
	s0 =	sld [smem:$0x3FAD]  }
0x30: {  	s3 =	sld [smem:$0x3FB0]  }
0x31: {  	[smem:$0x3FB9] =	sst s10  }
0x32: {  	s10 =	sld [smem:$0x3FB7];
	_ =	sdelay $0x3  }
0x33: {  	p0 =	seq.s32 s10, $0x1;
	s10 =	sld [smem:$0x3FB9];
	_ =	sdelay $0x3  }
0x34: {  	[smem:$0x3FB9] =	sst s10  }
0x35: {  	s10 =	sld [smem:$0x3FB8];
	_ =	sdelay $0x3  }
0x36: {  	p1 =	seq.s32 s10, $0x1;
	s10 =	sld [smem:$0x3FB9];
	_ =	sdelay $0x3  }
0x37: {  	[smem:$0x3FB9] =	sst s10  }
0x38: {  	s10 =	sld [smem:$0x3FBA]  }
0x39: {  	_ = 	snop;
	(pc) =	sbr.ind lr, $3  }
0x3a: {  	_ = 	snop  }
0x3b: {  	_ = 	snop  }
0x3c: {  	p2 =	seq.s32 s10, $0x1;
	s10 =	sld [smem:$0x3FB9]  }
0x3d: {  	_ =	shalt  }
0x3e: {  	_ =	shalt  }
0x3f: {  	_ =	shalt  }
0x40: {  	_ =	shalt  }
0x41: {  	_ =	shalt  }
0x42: {  	_ =	shalt  }
0x43: {  	_ =	shalt  }
0x44: {  	_ =	shalt  }
0x45: {  	_ =	shalt  }
0x46: {  	_ =	shalt  }
0x47: {  	_ =	shalt  }
0x48: {  	_ =	shalt  }
0x49: {  	_ =	shalt  }
0x4a: {  	_ =	shalt  }
0x4b: {  	_ =	shalt  }
0x4c: {  	_ =	shalt  }
0x4d: {  	_ =	shalt  }
0x4e: {  	_ =	shalt  }
0x4f: {  	_ =	shalt  }
0x50: {  	_ =	shalt  }
0x51: {  	_ =	shalt  }
0x52: {  	_ =	shalt  }
0x53: {  	_ =	shalt  }
0x54: {  	_ =	shalt  }
0x55: {  	_ =	shalt  }
0x56: {  	_ =	shalt  }
0x57: {  	_ =	shalt  }
0x58: {  	_ =	shalt  }
0x59: {  	_ =	shalt  }
0x5a: {  	_ =	shalt  }
0x5b: {  	_ =	shalt  }
0x5c: {  	_ =	shalt  }
0x5d: {  	_ =	shalt  }
0x5e: {  	_ =	shalt  }
0x5f: {  	_ =	shalt  }
0x60: {  	_ =	shalt  }
0x61: {  	_ =	shalt  }
0x62: {  	_ =	shalt  }
0x63: {  	_ =	shalt  }
0x64: {  	_ =	shalt  }
0x65: {  	_ =	shalt  }
0x66: {  	_ =	shalt  }
0x67: {  	_ =	shalt  }
0x68: {  	_ =	shalt  }
0x69: {  	_ =	shalt  }
0x6a: {  	_ =	shalt  }
0x6b: {  	_ =	shalt  }
0x6c: {  	_ =	shalt  }
0x6d: {  	_ =	shalt  }
0x6e: {  	_ =	shalt  }
0x6f: {  	_ =	shalt  }
0x70: {  	_ =	shalt  }
0x71: {  	_ =	shalt  }
0x72: {  	_ =	shalt  }
0x73: {  	_ =	shalt  }
0x74: {  	_ =	shalt  }
0x75: {  	_ =	shalt  }
0x76: {  	_ =	shalt  }
0x77: {  	_ =	shalt  }
0x78: {  	_ =	shalt  }
0x79: {  	_ =	shalt  }
0x7a: {  	_ =	shalt  }
0x7b: {  	_ =	shalt  }
0x7c: {  	_ =	shalt  }
0x7d: {  	_ =	shalt  }
0x7e: {  	_ =	shalt  }
0x7f: {  	_ =	shalt  }
0x80: {  	_ =	shalt  }
0x81: {  	_ =	shalt  }
0x82: {  	_ =	shalt  }
0x83: {  	_ =	shalt  }
0x84: {  	_ =	shalt  }
0x85: {  	_ =	shalt  }
0x86: {  	_ =	shalt  }
0x87: {  	_ =	shalt  }
.Lfunc_end0:
.L_simem_size_0:
called_computation.3_lowered:
.L_overlay_start_0:
0x88: {  	s0 =	sld [smem:$0x3FD9]  }
0x89: {  	s1 =	sld [smem:$0x3FFE];
	_ =	sdelay $0x3  }
0x8a: {  	s0 =	sadd.s32 s1, s0  }
0x8b: {  	[smem:$0x3FC5] =	sst s0  }
0x8c: {  	_ = 	snop  }
0x8d: {  	s0 =	sld [smem:$0x3FD0];
	(tm) =	ssettm $0x1  }
0x8e: {  	s16 =	sld [smem:$0x3FFB];
	_ =	sdelay $0x3  }
0x8f: {  	_ =	strace s16  }
0x90: {  	s1 =	sld [smem:$0x3FFC];
	_ =	sdelay $0x3  }
0x91: {  	_ =	strace s1  }
0x92: {  	s1 =	sld [smem:$0x3FFD];
	_ =	sdelay $0x3  }
0x93: {  	_ =	strace s1  }
0x94: {  	_ =	strace $0x8FFFFFFF  }
0x95: {  	s17 =	sld [smem:$0x3FDB];
	_ =	sdelay $0x1  }
0x96: {  	s2 =	simm.s32 $_scs_section_size  }
0x97: {  	s3 =	simm.s32 $_size__tile_overlayer_lowered;
	s4 =	simm.s32 $_tile_overlayer_lowered  }
0x98: {  	s20 =	simm.s32 $0x1BFF;
	s19 =	sshll.u32 s4, $0x1;
	s1 =	sadd.s32 s2, s17  }
0x99: {  	s5 =	simm.s32 $0x0;
	s18 =	sshll.u32 s3, $0x1;
	s3 =	sadd.s32 s19, s1  }
0x9a: {  	[timem:s5], [sflag:s20] =	dma.local [hbm:s3], s18  }
0x9b: {  	_ =	swait.ge [sflag:s20], s18  }
0x9c: {  	s2 =	ssub.s32 $0x0, s18;
	[sflag:s20] =	ssyncset.done $0x0  }
0x9d: {  	[sflag:s20] =	ssyncadd.s32 s2;
	_ =	sdelay $0x1  }
0x9e: {  	s21 =	simm.s32 $0x1B8B  }
0x9f: {  	_ =	swait.ge [sflag:s21], $0x1  }
0xa0: {  	[sflag:s21] =	ssyncset.done $0x0  }
0xa1: {  	s23 =	simm.s32 $0x1B8E;
	s22 =	sld [smem:$0x3FFE];
	[sflag:s21] =	ssyncadd.s32 $0xFFFFFFFF  }
0xa2: {  	s24 =	simm.s32 $execute0_lowered;
	[smem:$0x3FD2] =	sst s23  }
0xa3: {  	s3 =	sshll.u32 s24, $0x1;
	_ =	strace $0x8000004F;
	[dreg:$0x1] =	wrdreg $0xFFFFFFFF  }
0xa4: {  	s25 =	simm.s32 $_size_execute0_lowered;
	s1 =	sadd.s32 s1, s3;
	[dreg:$0x0] =	wrdreg $0x0  }
0xa5: {  	s3 =	sshll.u32 s25, $0x1;
	[dreg:$0x2] =	wrdreg s1  }
0xa6: {  	[dreg:$0x3] =	wrdreg s3  }
0xa7: {  	[dreg:$0x4] =	wrdreg $0xC0  }
0xa8: {  	_ =	task [dreg:s5], $0x5FFFF  }
0xa9: {  	[dreg:$0x1] =	wrdreg $0xFFFFFFFF  }
0xaa: {  	[dreg:$0x0] =	wrdreg $0x60  }
0xab: {  	[dreg:$0x2] =	wrdreg s22  }
0xac: {  	[dreg:$0x3] =	wrdreg s0  }
0xad: {  	[dreg:$0x4] =	wrdreg $0x9  }
0xae: {  	_ =	task.clear_ibuf [dreg:s5], $0x5FFFF;
	_ =	strace $0x9000004F  }
0xaf: {  	s26 =	simm.s32 $0x9;
	_ =	strace $0x80000051  }
0xb0: {  	_ =	swait.ge [sflag:s26], $0x1  }
0xb1: {  	[sflag:s26] =	ssyncadd.s32 $0xFFFFFFFF  }
0xb2: {  	_ =	strace $0x90000051  }
0xb3: {  	_ =	sfence  }
0xb4: {  	s28 =	sld [smem:$0x0];
	_ =	sdelay $0x1  }
0xb5: {  	s29 =	srdreg.scid  }
0xb6: {  	s30 =	sshll.u32 s29, $0xD;
	s31 =	sshrl.u32 s29, $0x2  }
0xb7: {  	s2 =	sand.u32 $0x4000, s30;
	s1 =	sand.u32 $0x1, s29;
	s0 =	sadd.s32 s31, s28  }
0xb8: {  	s1 =	sor.u32 s2, s1;
	s0 =	sshll.u32 s0, $0x11  }
0xb9: {  	s0 =	sor.u32 s0, s1  }
0xba: {  	s0 =	sadd.s32 $0x8F2B, s0  }
0xbb: {  	[sflag:s0] =	ssyncadd.remote.s32 $0x1  }
0xbc: {  	_ =	sfence.sel $0xFFFF  }
0xbd: {  	[dreg:$0x0] =	wrdreg $0xFFFFFFFF;
	(pc) =	sbr.abs _section_cstart, $3  }
0xbe: {  	[dreg:$0x1] =	wrdreg $0xFFFFFFFF  }
0xbf: {  	_ =	task.clear_ibuf [dreg:s5], $0x2FFFF;
	_ =	strace $0x9FFFFFFF  }
0xc0: {  	(tm) =	ssettm $0x7FFFFFFF  }
0xc1: {  	_ =	shalt  }
tec
execute0_lowered:
.L_overlay_start_1:
0x0: {  	(tag) =	ssettag $0x1  }
0x1: {  	s3 =	stileid.u32  }
0x2: {  	p0 =	sne.s32 s3, $0x0  }
.Ltmp0:
0x3: {  	_ = 	snop;
	(pc) =	sbr.rel @p0 .LBB2_6-.Ltmp0, $4  }
0x4: {  	_ = 	snop  }
0x5: {  	s2 =	rddreg [dreg:$0x0]  }
0x6: {  	s1 =	rddreg [dreg:$0x1]  }
0x7: {  	s0 =	rddreg [dreg:$0x2];
	_ =	strace $0x80000050  }
0x8: {  	s3 =	sadd.s32 $0x1400, s2;
	s2 =	simm.s32 $0x0;
	s30 =	simm.s32 $0x1  }
0x9: {  	[tilespmem:s2], [sflag:$0x1] =	stream.linear.gather [hbm4b:s3+s2], $0x100, $0x38;
	[tilespmem:$0x280] =	vst v63  }
0xa: {  	_ =	swait.ge [sflag:s30], $0x100  }
0xb: {  	[sflag:s30] =	ssyncset.done $0x0  }
0xc: {  	v0 =	vimm.f32 $-1.000000000e+00;
	[sflag:s30] =	ssyncadd.s32 $0xFFFFFF00  }
0xd: {  	[tilespmem:$0x100] =	vst v0  }
0xe: {  	[tilespmem:$0x110] =	vst v0  }
0xf: {  	[tilespmem:$0x120] =	vst v0  }
0x10: {  	[tilespmem:$0x130] =	vst v0  }
0x11: {  	[tilespmem:$0x140] =	vst v0  }
0x12: {  	[tilespmem:$0x150] =	vst v0  }
0x13: {  	[tilespmem:$0x160] =	vst v0  }
0x14: {  	[tilespmem:$0x170] =	vst v0  }
0x15: {  	[tilespmem:$0x180] =	vst v0  }
0x16: {  	[tilespmem:$0x190] =	vst v0  }
0x17: {  	[tilespmem:$0x1A0] =	vst v0  }
0x18: {  	v1 =	vmov s2;
	[tilespmem:$0x1B0] =	vst v0  }
0x19: {  	[tilespmem:$0x1C0] =	vst v0  }
0x1a: {  	[tilespmem:$0x1D0] =	vst v0  }
0x1b: {  	[tilespmem:$0x1E0] =	vst v0;
	v2 =	vld [tilespmem:$0x10]  }
0x1c: {  	[tilespmem:$0x1F0] =	vst v0;
	v3 =	vld [tilespmem:$0x0]  }
0x1d: {  	v1 =	vld.idx.msk [tilespmem:v1+s2+$0x0], $0xffff  }
0x1e: {  	v4 =	vld [tilespmem:$0x20]  }
0x1f: {  	v5 =	vld [tilespmem:$0x30]  }
0x20: {  	v6 =	vld [tilespmem:$0x40]  }
0x21: {  	v7 =	vld [tilespmem:$0x50]  }
0x22: {  	v0 =	vimm.s32 $0x0;
	vm0 =	vlt.s32 v3, v1;
	vm1 =	vlt.s32 v2, v1;
	v2 =	vld [tilespmem:$0x60]  }
0x23: {  	v3 =	vsel vm0, $0x1, v0;
	v8 =	vsel vm1, $0x1, v0;
	vm0 =	vlt.s32 v4, v1;
	v4 =	vld [tilespmem:$0x70]  }
0x24: {  	v3 =	vadd.s32 v8, v3;
	v55 =	vsel vm0, $0x1, v0;
	vm0 =	vlt.s32 v5, v1;
	v5 =	vld [tilespmem:$0x80]  }
0x25: {  	v3 =	vadd.s32 v55, v3;
	v56 =	vsel vm0, $0x1, v0;
	vm0 =	vlt.s32 v6, v1;
	v6 =	vld [tilespmem:$0x90]  }
0x26: {  	v3 =	vadd.s32 v56, v3;
	v57 =	vsel vm0, $0x1, v0;
	vm0 =	vlt.s32 v7, v1;
	v7 =	vld [tilespmem:$0xA0]  }
0x27: {  	v3 =	vadd.s32 v57, v3;
	v58 =	vsel vm0, $0x1, v0;
	vm0 =	vlt.s32 v2, v1;
	v2 =	vld [tilespmem:$0xB0]  }
0x28: {  	v3 =	vadd.s32 v58, v3;
	v59 =	vsel vm0, $0x1, v0;
	vm0 =	vlt.s32 v4, v1;
	v4 =	vld [tilespmem:$0xC0]  }
0x29: {  	v3 =	vadd.s32 v59, v3;
	v60 =	vsel vm0, $0x1, v0;
	vm0 =	vlt.s32 v5, v1;
	v5 =	vld [tilespmem:$0xD0]  }
0x2a: {  	v3 =	vadd.s32 v60, v3;
	v61 =	vsel vm0, $0x1, v0;
	vm0 =	vlt.s32 v6, v1;
	v6 =	vld [tilespmem:$0xE0]  }
0x2b: {  	v3 =	vadd.s32 v61, v3;
	v62 =	vsel vm0, $0x1, v0;
	vm0 =	vlt.s32 v7, v1;
	v7 =	vld [tilespmem:$0xF0]  }
0x2c: {  	v3 =	vadd.s32 v62, v3;
	v63 =	vsel vm0, $0x1, v0;
	vm0 =	vlt.s32 v2, v1  }
0x2d: {  	v2 =	vadd.s32 v63, v3;
	v3 =	vsel vm0, $0x1, v0;
	vm0 =	vlt.s32 v4, v1  }
0x2e: {  	v2 =	vadd.s32 v3, v2;
	v3 =	vsel vm0, $0x1, v0;
	vm0 =	vlt.s32 v5, v1  }
0x2f: {  	v2 =	vadd.s32 v3, v2;
	v3 =	vsel vm0, $0x1, v0;
	vm0 =	vlt.s32 v6, v1  }
0x30: {  	v2 =	vadd.s32 v3, v2;
	v3 =	vsel vm0, $0x1, v0;
	vm0 =	vlt.s32 v7, v1  }
0x31: {  	v2 =	vadd.s32 v3, v2;
	v3 =	vsel vm0, $0x1, v0  }
0x32: {  	v2 =	vadd.s32 v3, v2  }
0x33: {  	(xrf0) =	vadd.scan.msk.s32 $0xffff, v2;
	_ =	sdelay $0x5  }
0x34: {  	v2, _, _ =	vpop (xrf0)  }
0x35: {  	(v2sf) =	vpush v2, $0xF;
	_ =	sdelay $0x8  }
0x36: {  	v3 =	vcvt.s32.f32 v1;
	_ =	sdelay $0x1  }
0x37: {  	v3 =	vadd.f32 $1.000000000e+00, v3;
	_ =	sdelay $0x1  }
0x38: {  	(erf) = vrcp.f32 v3;
	_ =	sdelay $0x1  }
0x39: {  	s31 =	spop (v2sf)  }
0x3a: {  	s3 =	scvt.s32.f32 s31;
	_ =	sdelay $0x1  }
0x3b: {  	vm1 =	vlt.s32 v1, $0x40000000;
	vm0 =	vmmov $0x1;
	v3 =	vmov s3  }
0x3c: {  	vm1 =	vmand vm1, vm0;
	v1 =	vbroadcast v2, $0xF;
	v3 =	vadd.f32 $1.000000000e+00, v3;
	_ =	sdelay $0x1  }
0x3d: {  	s4 =	simm.s32 $0x1;
	v3 =	vbroadcast v3, $0x0  }
0x3e: {  	v2 =	vmov s4;
	s4 =	simm.s32 $0x2;
	v4 =	vpop (erf);
	s3 =	simm.s32 $0x100  }
.LBB2_2:
0x3f: {  	p1 =	sne.s32 s4, $0xFF;
	v3 =	vmul.f32 v3, v4;
	_ =	sdelay $0x1  }
0x40: {  	[tilespmem:v1+s3+$0x0] =	vst.idx.msk vm1, v3  }
0x41: {  	v1 =	vld [tilespmem:$0x10]  }
0x42: {  	v2 =	vld.idx.msk [tilespmem:v2+s2+$0x0], $0xffff  }
0x43: {  	v3 =	vld [tilespmem:$0x0]  }
0x44: {  	v4 =	vld [tilespmem:$0x20]  }
0x45: {  	v5 =	vld [tilespmem:$0x30]  }
0x46: {  	v6 =	vld [tilespmem:$0x40]  }
0x47: {  	v7 =	vld [tilespmem:$0x50]  }
0x48: {  	vm2 =	vlt.s32 v1, v2;
	vm1 =	vlt.s32 v3, v2;
	v1 =	vld [tilespmem:$0x60]  }
0x49: {  	v8 =	vsel vm2, $0x1, v0;
	v3 =	vsel vm1, $0x1, v0;
	vm1 =	vlt.s32 v4, v2;
	v4 =	vld [tilespmem:$0x70]  }
0x4a: {  	v3 =	vadd.s32 v8, v3;
	v8 =	vsel vm1, $0x1, v0;
	vm1 =	vlt.s32 v5, v2;
	v5 =	vld [tilespmem:$0x80]  }
0x4b: {  	v3 =	vadd.s32 v8, v3;
	v8 =	vsel vm1, $0x1, v0;
	vm1 =	vlt.s32 v6, v2;
	v6 =	vld [tilespmem:$0x90]  }
0x4c: {  	v3 =	vadd.s32 v8, v3;
	v8 =	vsel vm1, $0x1, v0;
	vm1 =	vlt.s32 v7, v2;
	v7 =	vld [tilespmem:$0xA0]  }
0x4d: {  	v3 =	vadd.s32 v8, v3;
	v8 =	vsel vm1, $0x1, v0;
	vm1 =	vlt.s32 v1, v2;
	v1 =	vld [tilespmem:$0xB0]  }
0x4e: {  	v3 =	vadd.s32 v8, v3;
	v8 =	vsel vm1, $0x1, v0;
	vm1 =	vlt.s32 v4, v2;
	v4 =	vld [tilespmem:$0xC0]  }
0x4f: {  	v3 =	vadd.s32 v8, v3;
	v8 =	vsel vm1, $0x1, v0;
	vm1 =	vlt.s32 v5, v2;
	v5 =	vld [tilespmem:$0xD0]  }
0x50: {  	v3 =	vadd.s32 v8, v3;
	v8 =	vsel vm1, $0x1, v0;
	vm1 =	vlt.s32 v6, v2;
	v6 =	vld [tilespmem:$0xE0]  }
0x51: {  	v3 =	vadd.s32 v8, v3;
	v8 =	vsel vm1, $0x1, v0;
	vm1 =	vlt.s32 v7, v2;
	v7 =	vld [tilespmem:$0xF0]  }
0x52: {  	v3 =	vadd.s32 v8, v3;
	v8 =	vsel vm1, $0x1, v0;
	vm1 =	vlt.s32 v1, v2  }
0x53: {  	v1 =	vadd.s32 v8, v3;
	v3 =	vsel vm1, $0x1, v0;
	vm1 =	vlt.s32 v4, v2  }
0x54: {  	v1 =	vadd.s32 v3, v1;
	v3 =	vsel vm1, $0x1, v0;
	vm1 =	vlt.s32 v5, v2  }
0x55: {  	v1 =	vadd.s32 v3, v1;
	v3 =	vsel vm1, $0x1, v0;
	vm1 =	vlt.s32 v6, v2  }
0x56: {  	v1 =	vadd.s32 v3, v1;
	v3 =	vsel vm1, $0x1, v0;
	vm1 =	vlt.s32 v7, v2  }
0x57: {  	v1 =	vadd.s32 v3, v1;
	v3 =	vsel vm1, $0x1, v0  }
0x58: {  	v1 =	vadd.s32 v3, v1  }
0x59: {  	(xrf0) =	vadd.scan.msk.s32 $0xffff, v1;
	_ =	sdelay $0x5  }
0x5a: {  	v1, _, _ =	vpop (xrf0)  }
0x5b: {  	(v2sf) =	vpush v1, $0xF;
	_ =	sdelay $0x8  }
0x5c: {  	v3 =	vcvt.s32.f32 v2;
	_ =	sdelay $0x1  }
0x5d: {  	v3 =	vadd.f32 $1.000000000e+00, v3;
	_ =	sdelay $0x1  }
0x5e: {  	(erf) = vrcp.f32 v3;
	_ =	sdelay $0x1  }
0x5f: {  	s5 =	spop (v2sf)  }
0x60: {  	s5 =	scvt.s32.f32 s5;
	_ =	sdelay $0x1  }
.Ltmp1:
0x61: {  	vm1 =	vlt.s32 v2, $0x40000000;
	v2 =	vmov s5;
	(pc) =	sbr.rel @p1 .LBB2_2-.Ltmp1, $3  }
0x62: {  	vm1 =	vmand vm1, vm0;
	v1 =	vbroadcast v1, $0xF;
	v2 =	vadd.f32 $1.000000000e+00, v2;
	_ =	sdelay $0x1  }
0x63: {  	v3 =	vbroadcast v2, $0x0  }
0x64: {  	v2 =	vmov s4;
	s4 =	sadd.s32 $0x1, s4;
	v4 =	vpop (erf)  }
0x65: {  	_ =	sdelay $0x2  }
0x66: {  	v3 =	vmul.f32 v3, v4;
	_ =	sdelay $0x1  }
0x67: {  	[tilespmem:v1+s3+$0x0] =	vst.idx.msk vm1, v3  }
0x68: {  	v1 =	vld [tilespmem:$0x10]  }
0x69: {  	v2 =	vld.idx.msk [tilespmem:v2+s2+$0x0], $0xffff  }
0x6a: {  	v3 =	vld [tilespmem:$0x0]  }
0x6b: {  	v4 =	vld [tilespmem:$0x20]  }
0x6c: {  	v5 =	vld [tilespmem:$0x30]  }
0x6d: {  	v6 =	vld [tilespmem:$0x40]  }
0x6e: {  	v7 =	vld [tilespmem:$0x50]  }
0x6f: {  	vm1 =	vlt.s32 v3, v2;
	vm2 =	vlt.s32 v1, v2;
	v1 =	vld [tilespmem:$0x60]  }
0x70: {  	v3 =	vsel vm1, $0x1, v0;
	v8 =	vsel vm2, $0x1, v0;
	vm1 =	vlt.s32 v4, v2;
	v4 =	vld [tilespmem:$0x70]  }
0x71: {  	v3 =	vadd.s32 v8, v3;
	v8 =	vsel vm1, $0x1, v0;
	vm1 =	vlt.s32 v5, v2;
	v5 =	vld [tilespmem:$0x80]  }
0x72: {  	v3 =	vadd.s32 v8, v3;
	v8 =	vsel vm1, $0x1, v0;
	vm1 =	vlt.s32 v6, v2;
	v6 =	vld [tilespmem:$0x90]  }
0x73: {  	v3 =	vadd.s32 v8, v3;
	v8 =	vsel vm1, $0x1, v0;
	vm1 =	vlt.s32 v7, v2;
	v7 =	vld [tilespmem:$0xA0]  }
0x74: {  	v3 =	vadd.s32 v8, v3;
	v8 =	vsel vm1, $0x1, v0;
	vm1 =	vlt.s32 v1, v2;
	v1 =	vld [tilespmem:$0xB0]  }
0x75: {  	v3 =	vadd.s32 v8, v3;
	v8 =	vsel vm1, $0x1, v0;
	vm1 =	vlt.s32 v4, v2;
	v4 =	vld [tilespmem:$0xC0]  }
0x76: {  	v3 =	vadd.s32 v8, v3;
	v8 =	vsel vm1, $0x1, v0;
	vm1 =	vlt.s32 v5, v2;
	v5 =	vld [tilespmem:$0xD0]  }
0x77: {  	v3 =	vadd.s32 v8, v3;
	v8 =	vsel vm1, $0x1, v0;
	vm1 =	vlt.s32 v6, v2;
	v6 =	vld [tilespmem:$0xE0]  }
0x78: {  	v3 =	vadd.s32 v8, v3;
	v8 =	vsel vm1, $0x1, v0;
	vm1 =	vlt.s32 v7, v2;
	v7 =	vld [tilespmem:$0xF0]  }
0x79: {  	v3 =	vadd.s32 v8, v3;
	v8 =	vsel vm1, $0x1, v0;
	vm1 =	vlt.s32 v1, v2  }
0x7a: {  	v1 =	vadd.s32 v8, v3;
	v3 =	vsel vm1, $0x1, v0;
	vm1 =	vlt.s32 v4, v2  }
0x7b: {  	v1 =	vadd.s32 v3, v1;
	v3 =	vsel vm1, $0x1, v0;
	vm1 =	vlt.s32 v5, v2  }
0x7c: {  	v1 =	vadd.s32 v3, v1;
	v3 =	vsel vm1, $0x1, v0;
	vm1 =	vlt.s32 v6, v2  }
0x7d: {  	v1 =	vadd.s32 v3, v1;
	v3 =	vsel vm1, $0x1, v0;
	vm1 =	vlt.s32 v7, v2  }
0x7e: {  	v1 =	vadd.s32 v3, v1;
	v0 =	vsel vm1, $0x1, v0  }
0x7f: {  	v0 =	vadd.s32 v0, v1  }
0x80: {  	(xrf0) =	vadd.scan.msk.s32 $0xffff, v0;
	_ =	sdelay $0x5  }
0x81: {  	v0, _, _ =	vpop (xrf0)  }
0x82: {  	(v2sf) =	vpush v0, $0xF;
	_ =	sdelay $0x8  }
0x83: {  	v1 =	vcvt.s32.f32 v2;
	_ =	sdelay $0x1  }
0x84: {  	v1 =	vadd.f32 $1.000000000e+00, v1;
	_ =	sdelay $0x1  }
0x85: {  	(erf) = vrcp.f32 v1;
	_ =	sdelay $0x1  }
0x86: {  	s26 =	spop (v2sf)  }
0x87: {  	s2 =	scvt.s32.f32 s26;
	_ =	sdelay $0x1  }
0x88: {  	vm1 =	vlt.s32 v2, $0x40000000;
	v1 =	vmov s2  }
0x89: {  	vm0 =	vmand vm1, vm0;
	v0 =	vbroadcast v0, $0xF;
	v1 =	vadd.f32 $1.000000000e+00, v1;
	_ =	sdelay $0x1  }
0x8a: {  	v1 =	vbroadcast v1, $0x0  }
0x8b: {  	v2 =	vpop (erf)  }
0x8c: {  	v1 =	vmul.f32 v1, v2;
	_ =	sdelay $0x1  }
0x8d: {  	s28 =	simm.s32 $0xF0;
	[tilespmem:v0+s3+$0x0] =	vst.idx.msk vm0, v1  }
0x8e: {  	v1 =	vld [tilespmem:s28+$0x100]  }
0x8f: {  	v0 =	vlaneseq.u32  }
0x90: {  	v0 =	vmul.u32 $0xFFFFFFFF, v0;
	_ =	sdelay $0x1  }
0x91: {  	v0 =	vadd.s32 $0xF, v0  }
0x92: {  	v2 =	vperm.xlane v1, v0;
	_ =	sdelay $0x1  }
0x93: {  	(xrf0) =	vmax.scan.msk.f32 $0xffff, v2  }
0x94: {  	s29 =	simm.s32 $0xE0  }
0x95: {  	v2 =	vld [tilespmem:s29+$0x100];
	_ =	sdelay $0x3  }
0x96: {  	v3, _, _ =	vpop (xrf0)  }
0x97: {  	v4 =	vperm.xlane v2, v0;
	v3 =	vperm.xlane v3, v0  }
0x98: {  	v5 =	vimm.f32 $-1.000000000e+00  }
0x99: {  	(xrf0) =	vmax.scan.msk.f32 $0xffff, v4;
	v3 =	vmax.f32 v3, v5  }
0x9a: {  	s30 =	simm.s32 $0xD0;
	(xrf0) =	vmax.scan.msk.f32 $0xffff, v3  }
0x9b: {  	v6 =	vld [tilespmem:s30+$0x100];
	_ =	sdelay $0x3  }
0x9c: {  	vm0 =	vge.f32 v1, $0.0e+00;
	v1, _, _ =	vpop (xrf0)  }
0x9d: {  	v4 =	vperm.xlane v6, v0;
	v5, _, _ =	vpop (xrf0)  }
0x9e: {  	vm0 =	vmmov vm0;
	v1 =	vperm.xlane v1, v0;
	v5 =	vbroadcast v5, $0xF  }
0x9f: {  	v3 =	vnsel vm0, $0x0, v3;
	(xrf0) =	vmax.scan.msk.f32 $0xffff, v4  }
0xa0: {  	vm0 =	vge.f32 v2, $0.0e+00;
	(xrf2) =	vadd.scan.msk.f32 $0xffff, v3;
	v1 =	vmax.f32 v1, v5  }
0xa1: {  	vm0 =	vmmov vm0;
	(xrf0) =	vmax.scan.msk.f32 $0xffff, v1  }
0xa2: {  	s31 =	simm.s32 $0xC0;
	v2 =	vnsel vm0, $0x0, v1  }
0xa3: {  	v17 =	vld [tilespmem:s31+$0x100]  }
0xa4: {  	v11 =	vld [tilespmem:$0x0]  }
0xa5: {  	v8 =	vld [tilespmem:$0x10];
	(xrf2) =	vadd.scan.msk.f32 $0xffff, v2;
	v2, _, _ =	vpop (xrf0)  }
0xa6: {  	v9 =	vld [tilespmem:$0x20];
	v19 =	vperm.xlane v2, v0  }
0xa7: {  	v10 =	vld [tilespmem:$0x30];
	v3, _, _ =	vpop (xrf0)  }
0xa8: {  	v12 =	vld [tilespmem:$0x40];
	v18 =	vperm.xlane v17, v0;
	v20 =	vbroadcast v3, $0xF  }
0xa9: {  	v13 =	vld [tilespmem:$0x50]  }
0xaa: {  	v14 =	vld [tilespmem:$0x60];
	(xrf0) =	vmax.scan.msk.f32 $0xffff, v18;
	v18 =	vmax.f32 v19, v20;
	v19, _, _ =	vpop (xrf2)  }
0xab: {  	v16 =	vld [tilespmem:$0x70];
	(v2sf) =	vpush v19, $0xF  }
0xac: {  	v15 =	vld [tilespmem:$0x80]  }
0xad: {  	v7 =	vld [tilespmem:$0x90]  }
0xae: {  	v4 =	vld [tilespmem:$0xB0]  }
0xaf: {  	v5 =	vld [tilespmem:$0xA0];
	vm0 =	vge.f32 v6, $0.0e+00  }
0xb0: {  	v1 =	vld [tilespmem:$0xC0];
	vm0 =	vmmov vm0  }
0xb1: {  	vm1 =	vge.f32 v17, $0.0e+00;
	v6 =	vld [tilespmem:$0xF0];
	v17 =	vnsel vm0, $0x0, v18  }
0xb2: {  	v2 =	vld [tilespmem:$0xD0]  }
0xb3: {  	s6 =	simm.s32 $0xB0;
	s4 =	simm.s32 $0x280;
	v3 =	vld [tilespmem:$0xE0];
	(xrf0) =	vmax.scan.msk.f32 $0xffff, v18  }
0xb4: {  	s5 =	simm.s32 $0x200;
	s2 =	simm.f32 $0.0e+00;
	s3 =	simm.s32 $0x240;
	vm0 =	vmmov vm1;
	v18 =	vld [tilespmem:s6+$0x100];
	(xrf2) =	vadd.scan.msk.f32 $0xffff, v17;
	v17, _, _ =	vpop (xrf2)  }
.LBB2_4:
0xb5: {  	p1 =	sne.s32 s5, $0x0;
	(v2sf) =	vpush v17, $0xF;
	_ =	sdelay $0x2  }
0xb6: {  	v17, _, _ =	vpop (xrf0)  }
0xb7: {  	v19 =	vperm.xlane v18, v0;
	vm1 =	vge.f32 v18, $0.0e+00;
	v18, _, _ =	vpop (xrf0)  }
.Ltmp2:
0xb8: {  	v17 =	vperm.xlane v17, v0;
	v18 =	vbroadcast v18, $0xF;
	s6 =	spop (v2sf);
	(pc) =	sbr.rel @p1 .LBB2_4-.Ltmp2, $4  }
0xb9: {  	s2 =	sadd.f32 s6, s2  }
0xba: {  	(xrf0) =	vmax.scan.msk.f32 $0xffff, v19;
	v20 =	vmax.f32 v17, v18  }
0xbb: {  	s6 =	sshra.s32 s4, $0x2;
	s4 =	smov.u32 s3;
	s3 =	smov.u32 s5;
	v19 =	vnsel vm0, $0x0, v20;
	(xrf0) =	vmax.scan.msk.f32 $0xffff, v20;
	vm0 =	vmmov vm1  }
0xbc: {  	s5 =	sadd.s32 $0xFFFFFFC0, s5;
	v18 =	vld [tilespmem:s6+$0x100];
	(xrf2) =	vadd.scan.msk.f32 $0xffff, v19;
	v17, _, _ =	vpop (xrf2)  }
0xbd: {  	_ =	sdelay $0x2  }
0xbe: {  	v19, _, _ =	vpop (xrf0)  }
0xbf: {  	v20 =	vperm.xlane v18, v0;
	v21, _, _ =	vpop (xrf0)  }
0xc0: {  	v19 =	vperm.xlane v19, v0;
	v21 =	vbroadcast v21, $0xF;
	_ =	sdelay $0x1  }
0xc1: {  	(xrf0) =	vmax.scan.msk.f32 $0xffff, v20;
	v19 =	vmax.f32 v19, v21  }
0xc2: {  	s4 =	sshra.s32 s4, $0x2;
	(xrf0) =	vmax.scan.msk.f32 $0xffff, v19  }
0xc3: {  	v41 =	vld [tilespmem:s4+$0x100];
	_ =	sdelay $0x3  }
0xc4: {  	v42, _, _ =	vpop (xrf0)  }
0xc5: {  	v22 =	vperm.xlane v41, v0;
	v23, _, _ =	vpop (xrf0)  }
0xc6: {  	v21 =	vperm.xlane v42, v0;
	v23 =	vbroadcast v23, $0xF;
	_ =	sdelay $0x1  }
0xc7: {  	(xrf0) =	vmax.scan.msk.f32 $0xffff, v22;
	v21 =	vmax.f32 v21, v23  }
0xc8: {  	s3 =	sshra.s32 s3, $0x2;
	(xrf0) =	vmax.scan.msk.f32 $0xffff, v21  }
0xc9: {  	v43 =	vld [tilespmem:s3+$0x100];
	_ =	sdelay $0x3  }
0xca: {  	v44, _, _ =	vpop (xrf0)  }
0xcb: {  	v24 =	vperm.xlane v43, v0;
	v25, _, _ =	vpop (xrf0)  }
0xcc: {  	v23 =	vperm.xlane v44, v0;
	v25 =	vbroadcast v25, $0xF;
	_ =	sdelay $0x1  }
0xcd: {  	vm2 =	veq.s32 v11, $0x0;
	(xrf0) =	vmax.scan.msk.f32 $0xffff, v24;
	v45 =	vmax.f32 v23, v25  }
0xce: {  	vm11 =	veq.s32 v8, $0x0;
	vm12 =	veq.s32 v9, $0x0;
	vm13 =	veq.s32 v10, $0x0;
	(xrf0) =	vmax.scan.msk.f32 $0xffff, v45  }
0xcf: {  	vm15 =	veq.s32 v12, $0x0;
	v46 =	vnsel vm0, $0x0, v19;
	vm0 =	vmor vm2, vm11  }
0xd0: {  	vm4 =	veq.s32 v13, $0x0;
	vm5 =	veq.s32 v14, $0x0;
	vm0 =	vmor vm0, vm12  }
0xd1: {  	vm6 =	veq.s32 v16, $0x0;
	vm7 =	veq.s32 v15, $0x0;
	vm0 =	vmor vm0, vm13  }
0xd2: {  	vm9 =	veq.s32 v7, $0x0;
	vm1 =	vge.f32 v18, $0.0e+00;
	vm0 =	vmor vm0, vm15  }
0xd3: {  	vm10 =	veq.s32 v5, $0x0;
	vm1 =	vmmov vm1;
	vm0 =	vmor vm0, vm4;
	v49, _, _ =	vpop (xrf0)  }
0xd4: {  	vm14 =	vge.f32 v41, $0.0e+00;
	vm8 =	vge.f32 v43, $0.0e+00;
	vm0 =	vmor vm0, vm5;
	v50, _, _ =	vpop (xrf0)  }
0xd5: {  	vm0 =	vmor vm0, vm6;
	v51 =	vperm.xlane v49, v0;
	v52 =	vbroadcast v50, $0xF  }
0xd6: {  	vm2 =	vmmov vm14;
	(xrf2) =	vadd.scan.msk.f32 $0xffff, v46;
	vm0 =	vmor vm0, vm7;
	v47 =	vnsel vm1, $0x0, v21  }
0xd7: {  	vm11 =	veq.s32 v4, $0x0;
	vm0 =	vmor vm0, vm9;
	(xrf2) =	vadd.scan.msk.f32 $0xffff, v47;
	v0 =	vmax.f32 v51, v52  }
0xd8: {  	vm0 =	vmor vm0, vm10;
	v48 =	vnsel vm2, $0x0, v45;
	vm2 =	vmmov vm8;
	(xrf0) =	vmax.scan.msk.f32 $0xffff, v0  }
0xd9: {  	vm12 =	veq.s32 v1, $0x0;
	vm0 =	vmor vm0, vm11;
	(xrf2) =	vadd.scan.msk.f32 $0xffff, v48;
	v0 =	vnsel vm2, $0x0, v0  }
0xda: {  	vm13 =	veq.s32 v2, $0x0;
	vm0 =	vmor vm0, vm12;
	(xrf2) =	vadd.scan.msk.f32 $0xffff, v0  }
0xdb: {  	vm14 =	veq.s32 v3, $0x0;
	vm0 =	vmor vm0, vm13  }
0xdc: {  	vm15 =	veq.s32 v6, $0x0;
	vm0 =	vmor vm0, vm14  }
0xdd: {  	(v2sf) =	vpush v17, $0xF;
	v54 =	vimm.f32 $0.0e+00;
	v53, _, _ =	vpop (xrf2);
	vm0 =	vmor vm0, vm15  }
0xde: {  	v1 =	vsel vm0, $0x3F800000, v54;
	v55, _, _ =	vpop (xrf0)  }
0xdf: {  	(v2sf) =	vpush v53, $0xF;
	(xrf0) =	vmax.scan.msk.f32 $0xffff, v1;
	v56 =	vbroadcast v55, $0xF  }
0xe0: {  	v57, _, _ =	vpop (xrf2)  }
0xe1: {  	(v2sf) =	vpush v57, $0xF;
	(xrf0) =	vmax.scan.msk.f32 $0xffff, v56  }
0xe2: {  	v58, _, _ =	vpop (xrf2)  }
0xe3: {  	(v2sf) =	vpush v58, $0xF;
	v59, _, _ =	vpop (xrf2)  }
0xe4: {  	(v2sf) =	vpush v59, $0xF;
	v60, _, _ =	vpop (xrf2)  }
0xe5: {  	v61, _, _ =	vpop (xrf0);
	(v2sf) =	vpush v60, $0xF  }
0xe6: {  	(v2sf) =	vpush v61, $0xF  }
0xe7: {  	v62, _, _ =	vpop (xrf0)  }
0xe8: {  	(v2sf) =	vpush v62, $0xF;
	_ =	sdelay $0x1  }
0xe9: {  	s20 =	spop (v2sf)  }
0xea: {  	s2 =	sadd.f32 s20, s2  }
0xeb: {  	s21 =	spop (v2sf)  }
0xec: {  	s2 =	sadd.f32 s21, s2  }
0xed: {  	s22 =	spop (v2sf)  }
0xee: {  	s2 =	sadd.f32 s22, s2  }
0xef: {  	s23 =	spop (v2sf)  }
0xf0: {  	s2 =	sadd.f32 s23, s2  }
0xf1: {  	s24 =	spop (v2sf)  }
0xf2: {  	s2 =	sadd.f32 s24, s2;
	s25 =	spop (v2sf)  }
0xf3: {  	s26 =	spop (v2sf)  }
0xf4: {  	s2 =	sadd.f32 s25, s2;
	s28 =	spop (v2sf)  }
0xf5: {  	p1 =	sgt.f32 s28, $0.0e+00  }
0xf6: {  	s2 =	sadd.f32 s26, s2;
	s3 =	spop (v2sf)  }
0xf7: {  	s3 =	simm.s32 @!p1 $0x0  }
0xf8: {  	s2 =	ssub.f32 s2, s3;
	_ =	sdelay $0x1  }
0xf9: {  	s2 =	smul.f32 $4.999999890e-03, s2;
	_ =	sdelay $0x1  }
0xfa: {  	v63 =	vmov s2  }
0xfb: {  	s29 =	simm.s32 $0x0;
	s30 =	simm.s32 $0x200;
	s31 =	simm.s32 $0x1;
	[tilespmem:$0x200] =	vst v63  }
0xfc: {  	[hbm4b:s1+s29] =	stream.linear.scatter [tilespmem:s30], [sflag:$0x1], $0x80, $0x38;
	[tilespmem:$0x280] =	vst v63  }
0xfd: {  	_ =	swait.ge [sflag:s31], $0x80  }
0xfe: {  	[sflag:s31] =	ssyncset.done $0x0  }
0xff: {  	[sflag:s31] =	ssyncadd.s32 $0xFFFFFF80  }
.LBB2_6:
0x100: {  	_ =	sfence.sel $0x180000  }
0x101: {  	[bflag:$0x0] =	sbarrier.arrive $0xFFFF  }
0x102: {  	_ =	strace $0x90000050  }
0x103: {  	s0 =	sadd.s32 @!p0 $0x100000, s0;
	[bflag:$0x2] =	sbarrier.arrive $0xFFFF  }
0x104: {  	[sflag:s0] =	ssyncadd.tile.s32 @!p0 $0x1;
	_ =	shalt  }
.Lfunc_end2:
_tile_overlayer_lowered:
.L_overlay_start_2:
0x105: {  	(tag) =	ssettag $0x2  }
0x106: {  	s0 =	rddreg [dreg:$0x0];
	s2 =	stileid.u32  }
0x107: {  	s1 =	rddreg [dreg:$0x1];
	p0 =	sne.s32 s2, $0x0  }
0x108: {  	s3 =	rddreg [dreg:$0x2];
	[bflag:$0x3] =	sbarrier.arrive $0xFFFF;
	s2 =	simm.s32 @!p0 $0x1C01  }
0x109: {  	[timem:s3], [sflag:s2] =	dma.local @!p0 [hbm:s0], s1  }
0x10a: {  	s0 =	simm.s32 @!p0 $0x1  }
0x10b: {  	_ =	swait.ge @!p0 [sflag:s0], s1  }
0x10c: {  	s1 =	ssub.s32 @!p0 $0x0, s1;
	[sflag:s0] =	ssyncset.done @!p0 $0x0  }
0x10d: {  	[sflag:s0] =	ssyncadd.s32 @!p0 s1  }
0x10e: {  	[bflag:$0x3] =	sbarrier.arrive $0xFFFF  }
0x10f: {  	_ =	shalt  }

// kernel: kernel.6.cloned.1.call-start
scs
__scs_entry_jumppad:
0x0: {  	(pc) =	sbr.rel $0x88, $3  }
0x1: {  	(tag) =	ssettag $0x0;
	lr =	simm.s32 $0x1  }
0x2: {  	[smem:$0x3F9E] =	sst lr;
	_ =	strace $0xD0000000  }
0x3: {  	_ = 	snop  }
0x4: {  	_ = 	snop  }
0x5: {  	_ = 	snop  }
0x6: {  	_ = 	snop  }
0x7: {  	_ = 	snop  }
__scs_overlays_trampoline_lowered:
0x8: {  	[smem:$0x3FAD] =	sst s0  }
0x9: {  	[smem:$0x3FAE] =	sst s1  }
0xa: {  	[smem:$0x3FAF] =	sst s2  }
0xb: {  	[smem:$0x3FB0] =	sst s3  }
0xc: {  	[smem:$0x3FB1] =	sst s4  }
0xd: {  	[smem:$0x3FB2] =	sst s5  }
0xe: {  	[smem:$0x3FB3] =	sst s6  }
0xf: {  	[smem:$0x3FB4] =	sst s7  }
0x10: {  	[smem:$0x3FB5] =	sst s8  }
0x11: {  	[smem:$0x3FB6] =	sst s9;
	s0 =	simm.s32 @!p0 $0x0  }
0x12: {  	s1 =	sld [smem:$0x3F9C];
	s0 =	simm.s32 @p0 $0x1  }
0x13: {  	[smem:$0x3FB7] =	sst s0;
	s0 =	simm.s32 @!p1 $0x0  }
0x14: {  	s2 =	sld [smem:$0x3F9B];
	s0 =	simm.s32 @p1 $0x1  }
0x15: {  	[smem:$0x3FB8] =	sst s0;
	s0 =	simm.s32 @!p2 $0x0  }
0x16: {  	s3 =	sld [smem:$0x3FDB];
	s0 =	simm.s32 @p2 $0x1  }
0x17: {  	s4 =	simm.s32 $0x1BF5;
	[smem:$0x3FBA] =	sst s0  }
0x18: {  	s0 =	sld [smem:$0x3F9D];
	_ =	swait.ge [sflag:s4], $0x0  }
0x19: {  	s7 =	sld [smem:$0x3F9E]  }
0x1a: {  	s8 =	sadd.s32 $0xFFFFE003, lr  }
0x1b: {  	s9 =	sadd.s32 $0xFFFFFEF7, lr;
	s5 =	simm.s32 $0xFFFFFFFF;
	p2 =	slt.u32 s8, $0xFFFFF086  }
0x1c: {  	p1 =	slt.u32 s9, $0xF7A;
	s5 =	simm.s32 @!p2 $0x0  }
0x1d: {  	s5 =	simm.s32 @p1 $0x1;
	p0 =	seq.s32 s7, s2  }
0x1e: {  	s7 =	smul.u32 @!p0 $0xF7A, s2;
	p2 =	seq.s32 @!p0 s5, $0x0  }
0x1f: {  	s9 =	smul.u32 $0xF7A, s1;
	s8 =	simm.s32 @!p0 $0x1BF5;
	p2 =	por !p2, p0  }
0x20: {  	[sflag:s8] =	ssyncset.s32 @!p0 $0xFFFFF086;
	s6 =	sadd.s32 @!p0 s3, s7;
	s7 =	simm.s32 @!p0 $0x108  }
0x21: {  	s3 =	sadd.s32 s3, s9;
	s6 =	sadd.s32 @!p0 $0x88, s6;
	s7 =	simm.s32 @p2 $0x1082  }
0x22: {  	[simem:s7], [sflag:s8] =	dma.local @!p0 [hbm:s6], $0xF7A  }
0x23: {  	s9 =	sor.u32 $0xD0000000, s2;
	s6 =	simm.s32 $0x108;
	_ =	swait.ge @!p0 [sflag:s8], $0x0  }
0x24: {  	s3 =	sadd.s32 $0x88, s3;
	s6 =	simm.s32 @!p1 $0x1082;
	[sflag:s4] =	ssyncset.s32 $0xFFFFF086  }
0x25: {  	[simem:s6], [sflag:s4] =	dma.local [hbm:s3], $0xF7A  }
0x26: {  	[smem:$0x3F9E] =	sst s1;
	(tag) =	ssettag s2;
	_ =	strace s9  }
0x27: {  	s1 =	sld [smem:$0x3FAE]  }
0x28: {  	s2 =	sld [smem:$0x3FAF]  }
0x29: {  	s4 =	sld [smem:$0x3FB1]  }
0x2a: {  	p0 =	seq.s32 s5, $0x0;
	s5 =	sld [smem:$0x3FB2]  }
0x2b: {  	s6 =	sld [smem:$0x3FB3]  }
0x2c: {  	s7 =	sld [smem:$0x3FB4]  }
0x2d: {  	s3 =	simm.s32 $0x108;
	s8 =	sld [smem:$0x3FB5]  }
0x2e: {  	s3 =	simm.s32 @!p0 $0x1082;
	s9 =	sld [smem:$0x3FB6]  }
0x2f: {  	lr =	sadd.s32 s0, s3;
	s0 =	sld [smem:$0x3FAD]  }
0x30: {  	s3 =	sld [smem:$0x3FB0]  }
0x31: {  	[smem:$0x3FB9] =	sst s10  }
0x32: {  	s10 =	sld [smem:$0x3FB7];
	_ =	sdelay $0x3  }
0x33: {  	p0 =	seq.s32 s10, $0x1;
	s10 =	sld [smem:$0x3FB9];
	_ =	sdelay $0x3  }
0x34: {  	[smem:$0x3FB9] =	sst s10  }
0x35: {  	s10 =	sld [smem:$0x3FB8];
	_ =	sdelay $0x3  }
0x36: {  	p1 =	seq.s32 s10, $0x1;
	s10 =	sld [smem:$0x3FB9];
	_ =	sdelay $0x3  }
0x37: {  	[smem:$0x3FB9] =	sst s10  }
0x38: {  	s10 =	sld [smem:$0x3FBA]  }
0x39: {  	_ = 	snop;
	(pc) =	sbr.ind lr, $3  }
0x3a: {  	_ = 	snop  }
0x3b: {  	_ = 	snop  }
0x3c: {  	p2 =	seq.s32 s10, $0x1;
	s10 =	sld [smem:$0x3FB9]  }
0x3d: {  	_ =	shalt  }
0x3e: {  	_ =	shalt  }
0x3f: {  	_ =	shalt  }
0x40: {  	_ =	shalt  }
0x41: {  	_ =	shalt  }
0x42: {  	_ =	shalt  }
0x43: {  	_ =	shalt  }
0x44: {  	_ =	shalt  }
0x45: {  	_ =	shalt  }
0x46: {  	_ =	shalt  }
0x47: {  	_ =	shalt  }
0x48: {  	_ =	shalt  }
0x49: {  	_ =	shalt  }
0x4a: {  	_ =	shalt  }
0x4b: {  	_ =	shalt  }
0x4c: {  	_ =	shalt  }
0x4d: {  	_ =	shalt  }
0x4e: {  	_ =	shalt  }
0x4f: {  	_ =	shalt  }
0x50: {  	_ =	shalt  }
0x51: {  	_ =	shalt  }
0x52: {  	_ =	shalt  }
0x53: {  	_ =	shalt  }
0x54: {  	_ =	shalt  }
0x55: {  	_ =	shalt  }
0x56: {  	_ =	shalt  }
0x57: {  	_ =	shalt  }
0x58: {  	_ =	shalt  }
0x59: {  	_ =	shalt  }
0x5a: {  	_ =	shalt  }
0x5b: {  	_ =	shalt  }
0x5c: {  	_ =	shalt  }
0x5d: {  	_ =	shalt  }
0x5e: {  	_ =	shalt  }
0x5f: {  	_ =	shalt  }
0x60: {  	_ =	shalt  }
0x61: {  	_ =	shalt  }
0x62: {  	_ =	shalt  }
0x63: {  	_ =	shalt  }
0x64: {  	_ =	shalt  }
0x65: {  	_ =	shalt  }
0x66: {  	_ =	shalt  }
0x67: {  	_ =	shalt  }
0x68: {  	_ =	shalt  }
0x69: {  	_ =	shalt  }
0x6a: {  	_ =	shalt  }
0x6b: {  	_ =	shalt  }
0x6c: {  	_ =	shalt  }
0x6d: {  	_ =	shalt  }
0x6e: {  	_ =	shalt  }
0x6f: {  	_ =	shalt  }
0x70: {  	_ =	shalt  }
0x71: {  	_ =	shalt  }
0x72: {  	_ =	shalt  }
0x73: {  	_ =	shalt  }
0x74: {  	_ =	shalt  }
0x75: {  	_ =	shalt  }
0x76: {  	_ =	shalt  }
0x77: {  	_ =	shalt  }
0x78: {  	_ =	shalt  }
0x79: {  	_ =	shalt  }
0x7a: {  	_ =	shalt  }
0x7b: {  	_ =	shalt  }
0x7c: {  	_ =	shalt  }
0x7d: {  	_ =	shalt  }
0x7e: {  	_ =	shalt  }
0x7f: {  	_ =	shalt  }
0x80: {  	_ =	shalt  }
0x81: {  	_ =	shalt  }
0x82: {  	_ =	shalt  }
0x83: {  	_ =	shalt  }
0x84: {  	_ =	shalt  }
0x85: {  	_ =	shalt  }
0x86: {  	_ =	shalt  }
0x87: {  	_ =	shalt  }
.Lfunc_end0:
.L_simem_size_0:
called_computation_lowered:
.L_overlay_start_0:
0x88: {  	s2 =	sld [smem:$0x3FD9]  }
0x89: {  	s3 =	sld [smem:$0x3FFE];
	_ =	sdelay $0x1  }
0x8a: {  	s1 =	srdreg.scid  }
0x8b: {  	s0 =	sand.u32 $0x1, s1  }
0x8c: {  	s16 =	sshll.u32 s0, $0xA;
	s2 =	sadd.s32 s3, s2  }
0x8d: {  	s2 =	sadd.s32 s2, s16  }
0x8e: {  	[smem:$0x3FC5] =	sst s2  }
0x8f: {  	_ = 	snop  }
0x90: {  	(tm) =	ssettm $0x1  }
0x91: {  	s17 =	sld [smem:$0x3FFB];
	_ =	sdelay $0x3  }
0x92: {  	_ =	strace s17  }
0x93: {  	s2 =	sld [smem:$0x3FFC];
	_ =	sdelay $0x3  }
0x94: {  	_ =	strace s2  }
0x95: {  	s2 =	sld [smem:$0x3FFD];
	_ =	sdelay $0x3  }
0x96: {  	_ =	strace s2  }
0x97: {  	_ =	strace $0x8FFFFFFF  }
0x98: {  	s18 =	sld [smem:$0x3FDB];
	_ =	sdelay $0x1  }
0x99: {  	s19 =	simm.s32 $_scs_section_size  }
0x9a: {  	s4 =	simm.s32 $_size__tile_overlayer_lowered;
	s5 =	simm.s32 $_tile_overlayer_lowered  }
0x9b: {  	s22 =	simm.s32 $0x1BFF;
	s21 =	sshll.u32 s5, $0x1;
	s2 =	sadd.s32 s19, s18  }
0x9c: {  	s6 =	simm.s32 $0x0;
	s20 =	sshll.u32 s4, $0x1;
	s4 =	sadd.s32 s21, s2  }
0x9d: {  	[timem:s6], [sflag:s22] =	dma.local [hbm:s4], s20  }
0x9e: {  	_ =	swait.ge [sflag:s22], s20  }
0x9f: {  	s3 =	ssub.s32 $0x0, s20;
	[sflag:s22] =	ssyncset.done $0x0  }
0xa0: {  	[sflag:s22] =	ssyncadd.s32 s3;
	_ =	sdelay $0x1  }
0xa1: {  	s23 =	simm.s32 $0x1B8B  }
0xa2: {  	_ =	swait.ge [sflag:s23], $0x1  }
0xa3: {  	[sflag:s23] =	ssyncset.done $0x0  }
0xa4: {  	s25 =	simm.s32 $0x1B8E;
	s24 =	sld [smem:$0x3FFE];
	[sflag:s23] =	ssyncadd.s32 $0xFFFFFFFF  }
0xa5: {  	s26 =	simm.s32 $execute0_lowered;
	[smem:$0x3FD2] =	sst s25  }
0xa6: {  	s4 =	sshll.u32 s26, $0x1;
	_ =	strace $0x80000046;
	[dreg:$0x1] =	wrdreg $0xFFFFFFFF  }
0xa7: {  	s28 =	simm.s32 $_size_execute0_lowered;
	s2 =	sadd.s32 s2, s4;
	[dreg:$0x0] =	wrdreg $0x0  }
0xa8: {  	s4 =	sshll.u32 s28, $0x1;
	[dreg:$0x2] =	wrdreg s2  }
0xa9: {  	[dreg:$0x3] =	wrdreg s4  }
0xaa: {  	[dreg:$0x4] =	wrdreg $0xC0  }
0xab: {  	_ =	task [dreg:s6], $0x5FFFF  }
0xac: {  	[dreg:$0x1] =	wrdreg $0xFFFFFFFF  }
0xad: {  	[dreg:$0x0] =	wrdreg $0x60  }
0xae: {  	[dreg:$0x2] =	wrdreg s24  }
0xaf: {  	[dreg:$0x3] =	wrdreg $0x9  }
0xb0: {  	_ =	task.clear_ibuf [dreg:s6], $0x4FFFF;
	_ =	strace $0x90000046  }
0xb1: {  	s29 =	simm.s32 $0x9;
	_ =	strace $0x80000048  }
0xb2: {  	_ =	swait.ge [sflag:s29], $0x1  }
0xb3: {  	[sflag:s29] =	ssyncadd.s32 $0xFFFFFFFF  }
0xb4: {  	_ =	strace $0x90000048  }
0xb5: {  	_ =	sfence  }
0xb6: {  	s30 =	sld [smem:$0x0];
	_ =	sdelay $0x2  }
0xb7: {  	s31 =	sshll.u32 s1, $0xD;
	s1 =	sshrl.u32 s1, $0x2  }
0xb8: {  	s3 =	sand.u32 $0x4000, s31;
	s1 =	sadd.s32 s1, s30  }
0xb9: {  	s0 =	sor.u32 s3, s0;
	s1 =	sshll.u32 s1, $0x11  }
0xba: {  	s0 =	sor.u32 s1, s0  }
0xbb: {  	s0 =	sadd.s32 $0x8F2B, s0  }
0xbc: {  	[sflag:s0] =	ssyncadd.remote.s32 $0x1  }
0xbd: {  	_ =	sfence.sel $0xFFFF  }
0xbe: {  	[dreg:$0x0] =	wrdreg $0xFFFFFFFF;
	(pc) =	sbr.abs _section_cstart, $3  }
0xbf: {  	[dreg:$0x1] =	wrdreg $0xFFFFFFFF  }
0xc0: {  	_ =	task.clear_ibuf [dreg:s6], $0x2FFFF;
	_ =	strace $0x9FFFFFFF  }
0xc1: {  	(tm) =	ssettm $0x7FFFFFFF  }
tec
execute0_lowered:
.L_overlay_start_1:
0x0: {  	(tag) =	ssettag $0x1  }
0x1: {  	s5 =	rddreg [dreg:$0x0]  }
0x2: {  	s0 =	rddreg [dreg:$0x1]  }
0x3: {  	s3 =	srdreg.scid;
	s1 =	stileid.u32;
	s2 =	simm.s32 $0x0  }
0x4: {  	s11 =	simm.s32 $0x9D00;
	s12 =	simm.s32 $0x9D80;
	s13 =	simm.s32 $0x9E00  }
0x5: {  	s14 =	simm.s32 $0x0;
	s4 =	sand.u32 $0x1, s3;
	s31 =	sshll.u32 s1, $0x1  }
0x6: {  	[smem:$0x7FF] =	sst s2;
	s3 =	sadd.s32 $0x1E00, s5;
	s6 =	sor.u32 s4, s31  }
0x7: {  	_ =	strace $0x80000047;
	s8 =	ssub.s32 $0x2, s4;
	s7 =	smul.u32 $0xE, s6  }
0x8: {  	s4 =	sadd.s32 $0x1400, s5;
	s6 =	smul.u32 $0xC4, s6;
	s9 =	sshrl.u32 s8, $0x1  }
0x9: {  	s8 =	ssub.s32 s8, s9;
	s9 =	simm.s32 $0x1;
	s7 =	sadd.s32 s7, s5  }
0xa: {  	s10 =	sadd.s32 s6, s5;
	s8 =	smax.u32 s8, $0x1;
	s5 =	sadd.s32 $0x1000, s7  }
0xb: {  	v0 =	vimm.s32 $0x40000000;
	v1 =	vlaneseq.u32;
	v2 =	vimm.s32 $0x0;
	s6 =	sadd.s32 $0x1200, s7;
	s7 =	sadd.s32 $0x2800, s10;
	s10 =	simm.s32 $0x4E80  }
.LBB2_1:
0xc: {  	[tilespmem:s2], [sflag:$0x1] =	stream.linear.gather [hbm4b:s3+s2], $0x4E80, $0x38;
	[tilespmem:$0xA480] =	vst v63  }
0xd: {  	_ =	swait.ge [sflag:s9], $0x4E80  }
0xe: {  	[sflag:s9] =	ssyncset.done $0x0  }
0xf: {  	[sflag:s9] =	ssyncadd.s32 $0xFFFFB180  }
0x10: {  	[tilespmem:s10], [sflag:$0x1] =	stream.linear.gather [hbm4b:s4+s2], $0x4E80, $0x38;
	[tilespmem:$0xA480] =	vst v63  }
0x11: {  	_ =	swait.ge [sflag:s9], $0x4E80  }
0x12: {  	[sflag:s9] =	ssyncset.done $0x0  }
0x13: {  	[sflag:s9] =	ssyncadd.s32 $0xFFFFB180  }
0x14: {  	[tilespmem:s11], [sflag:$0x1] =	stream.linear.gather [hbm4b:s5+s2], $0x70, $0x38;
	[tilespmem:$0xA480] =	vst v63  }
0x15: {  	_ =	swait.ge [sflag:s9], $0x70  }
0x16: {  	[sflag:s9] =	ssyncset.done $0x0  }
0x17: {  	[sflag:s9] =	ssyncadd.s32 $0xFFFFFF90  }
0x18: {  	[tilespmem:s12], [sflag:$0x1] =	stream.linear.gather [hbm4b:s6+s2], $0x70, $0x38;
	[tilespmem:$0xA480] =	vst v63  }
0x19: {  	_ =	swait.ge [sflag:s9], $0x70  }
0x1a: {  	[sflag:s9] =	ssyncset.done $0x0  }
0x1b: {  	s15 =	simm.s32 $0x40;
	s16 =	simm.s32 $0x0;
	[sflag:s9] =	ssyncadd.s32 $0xFFFFFF90  }
.LBB2_2:
0x1c: {  	p0 =	sne.s32 s15, $0x1840;
	[tilespmem:s16+$0x9E00] =	vst v0;
	s16 =	smov.u32 s15;
	s15 =	sadd.s32 $0x40, s15  }
.Ltmp0:
0x1d: {  	(pc) =	sbr.rel @p0 .LBB2_2-.Ltmp0, $2  }
0x1e: {  	_ =	sdelay $0x2  }
0x1f: {  	s16 =	sshra.s32 s16, $0x2  }
0x20: {  	[tilespmem:s16+$0x9E00] =	vst v0  }
0x21: {  	v5 =	vld [tilespmem:$0x9D00]  }
0x22: {  	v6 =	vld [tilespmem:$0x9D10]  }
0x23: {  	v7 =	vld [tilespmem:$0x9D20]  }
0x24: {  	v8 =	vld [tilespmem:$0x9D30]  }
0x25: {  	v9 =	vld [tilespmem:$0x9D40]  }
0x26: {  	v10 =	vld [tilespmem:$0x9D50]  }
0x27: {  	v11 =	vld [tilespmem:$0x9D60]  }
0x28: {  	v12 =	vld [tilespmem:$0x9D80]  }
0x29: {  	v13 =	vld [tilespmem:$0x9D90]  }
0x2a: {  	v14 =	vld [tilespmem:$0x9DA0]  }
0x2b: {  	v15 =	vld [tilespmem:$0x9DB0]  }
0x2c: {  	v16 =	vld [tilespmem:$0x9DC0]  }
0x2d: {  	v26 =	vimm.s32 $0xFFFFFFFF;
	v27 =	vimm.s32 $0xDF;
	v28 =	vimm.s32 $0x1BF;
	v17 =	vld [tilespmem:$0x9DD0]  }
0x2e: {  	s15 =	simm.s32 $0x4E80;
	v29 =	vimm.s32 $0x29F;
	v30 =	vimm.s32 $0x37F;
	v3 =	vimm.s32 $0x45F;
	v18 =	vld [tilespmem:$0x9DE0]  }
0x2f: {  	s16 =	simm.s32 $0x0;
	v31 =	vimm.s32 $0x53F;
	v33 =	vld [tilespmem:s15+$0x0];
	vm5 =	vlt.s32 v26, $0xC7;
	vm0 =	vlt.s32 v27, $0x1A7  }
0x30: {  	v35 =	vld [tilespmem:s16+$0x0];
	vm4 =	vlt.s32 v28, $0x287;
	v4 =	vor.u32 s16, v1;
	vm3 =	vlt.s32 v29, $0x367  }
0x31: {  	vm13 =	vlt.s32 v30, $0x447;
	vm15 =	vlt.s32 v31, $0x607;
	v19 =	vsub.f32 v12, v5  }
0x32: {  	vm14 =	vlt.s32 v3, $0x527;
	v20 =	vsub.f32 v13, v6;
	v21 =	vsub.f32 v14, v7  }
0x33: {  	v34 =	vnsel vm5, $0xC7, v26;
	v22 =	vsub.f32 v15, v8;
	v23 =	vsub.f32 v16, v9  }
0x34: {  	v24 =	vsub.f32 v17, v10;
	v25 =	vsub.f32 v18, v11;
	v36 =	vmin.f32 v33, v15  }
0x35: {  	v37 =	vmin.f32 v33, v16;
	v38 =	vmin.f32 v33, v12;
	v39 =	vmax.f32 v35, v5  }
0x36: {  	v42 =	vmin.f32 v33, v18;
	v40 =	vmin.f32 v33, v13;
	v58 =	vmin.f32 v33, v14  }
0x37: {  	v41 =	vmax.f32 v35, v7;
	v43 =	vmax.f32 v35, v6;
	v44 =	vmax.f32 v35, v11  }
0x38: {  	v59 =	vmax.f32 v35, v9;
	v46 =	vsub.f32 v33, v35;
	v60 =	vmax.f32 v35, v8  }
0x39: {  	v33 =	vmin.f32 v33, v17;
	v38 =	vsub.f32 v38, v39;
	v39 =	vsub.f32 v58, v41  }
0x3a: {  	v35 =	vmax.f32 v35, v10;
	v40 =	vsub.f32 v40, v43;
	v37 =	vsub.f32 v37, v59  }
0x3b: {  	v32 =	vnsel vm4, $0x287, v28;
	v36 =	vsub.f32 v36, v60;
	v33 =	vsub.f32 v33, v35  }
0x3c: {  	v42 =	vsub.f32 v42, v44;
	v35 =	vimm.s32 $0xDF;
	v61 =	vadd.f32 v46, v19  }
0x3d: {  	v62 =	vadd.f32 v46, v20;
	v47 =	vadd.f32 v46, v24;
	v38 =	vmul.f32 $3.000000000e+00, v38  }
0x3e: {  	v44 =	vadd.f32 v46, v23;
	v39 =	vmul.f32 $3.000000000e+00, v39;
	v45 =	vmul.f32 $3.000000000e+00, v40  }
0x3f: {  	v40 =	vadd.f32 v46, v21;
	v41 =	vmul.f32 $3.000000000e+00, v36;
	v33 =	vmul.f32 $3.000000000e+00, v33  }
0x40: {  	v43 =	vmul.f32 $3.000000000e+00, v37;
	v42 =	vmul.f32 $3.000000000e+00, v42;
	vm8 =	vgt.f32 v38, v61  }
0x41: {  	v37 =	vimm.s32 $0x29F;
	v36 =	vimm.s32 $0x37F;
	vm5 =	vmand vm5, vm8  }
0x42: {  	v38 =	vadd.f32 v46, v25;
	vm9 =	vgt.f32 v45, v62;
	v63 =	vsel vm5, $0x1, v2  }
0x43: {  	s17 =	simm.s32 $0x10;
	v45 =	vadd.f32 v46, v22;
	vm7 =	vgt.f32 v33, v47;
	v33 =	vimm.s32 $0x53F;
	(xrf0) =	vadd.scan.msk.s32 $0xffff, v63  }
.LBB2_4:
0x44: {  	v46 =	vimm.s32 $0x0  }
0x45: {  	vm1 =	vmand vm0, vm9;
	v46 =	vsel vm5, $0xFFFFFFFF, v46  }
0x46: {  	v55 =	vsel vm1, $0x1, v2;
	[tilespmem:$0x1FFE0] =	vst v46  }
0x47: {  	(xrf0) =	vadd.scan.msk.s32 $0xffff, v55;
	v55 =	vld [tilespmem:$0x1FFE0]  }
0x48: {  	v53 =	vimm.s32 $0x0;
	v54 =	vmpcnt.ones.xlane vm9;
	vm9 =	vgt.f32 v39, v40  }
0x49: {  	vm10 =	vmmov vm3;
	v46 =	vsel vm1, $0xFFFFFFFF, v53;
	vm11 =	vmand vm4, vm9  }
0x4a: {  	vm4 =	vgt.f32 v41, v45;
	vm1 =	vgt.f32 v42, v38;
	v56 =	vsel vm11, $0x1, v2  }
0x4b: {  	vm12 =	vmand vm3, vm4;
	vm3 =	vmmov vm0;
	vm0 =	vgt.f32 v43, v44  }
0x4c: {  	[tilespmem:$0x1FFF0] =	vst v46;
	vm2 =	vmand vm15, vm1;
	v46 =	vmpcnt.ones.xlane vm1;
	v59, _, _ =	vpop (xrf0);
	vm1 =	vnez.u8 v55  }
0x4d: {  	v57 =	vsel vm12, $0x1, v2;
	vm6 =	vmand vm13, vm0;
	(xrf0) =	vadd.scan.msk.s32 $0xffff, v56;
	v34 =	vadd.s32 v34, v59;
	v59 =	vld [tilespmem:$0x1FFF0]  }
0x4e: {  	vm5 =	vmand vm14, vm7;
	v58 =	vsel vm6, $0x1, v2;
	(xrf0) =	vadd.scan.msk.s32 $0xffff, v57  }
0x4f: {  	v60 =	vsel vm5, $0x1, v2;
	(xrf0) =	vadd.scan.msk.s32 $0xffff, v58  }
0x50: {  	v62 =	vsel vm2, $0x1, v2;
	(xrf0) =	vadd.scan.msk.s32 $0xffff, v60  }
0x51: {  	(xrf0) =	vadd.scan.msk.s32 $0xffff, v62  }
0x52: {  	v63 =	vnsel vm3, $0x1A7, v35;
	v48, _, _ =	vpop (xrf0);
	[tilespmem:v34+s13+$0x0] =	vst.idx.msk vm1, v4;
	vm1 =	vnez.u8 v59  }
0x53: {  	v39 =	vadd.s32 v63, v48;
	v49, _, _ =	vpop (xrf0)  }
0x54: {  	v37 =	vnsel vm10, $0x367, v37;
	v32 =	vadd.s32 v32, v49;
	v50, _, _ =	vpop (xrf0)  }
0x55: {  	v51 =	vnsel vm13, $0x447, v36;
	v38 =	vadd.s32 v37, v50;
	v53, _, _ =	vpop (xrf0)  }
0x56: {  	v52 =	vnsel vm14, $0x527, v3;
	v27 =	vadd.s32 v27, v54;
	v40 =	vadd.s32 v51, v53;
	v54, _, _ =	vpop (xrf0)  }
0x57: {  	v57 =	vnsel vm15, $0x607, v33;
	v56 =	vadd.s32 v52, v54;
	v58, _, _ =	vpop (xrf0)  }
0x58: {  	v60 =	vadd.s32 v57, v58;
	[tilespmem:v39+s13+$0x0] =	vst.idx.msk vm1, v4  }
0x59: {  	[tilespmem:v32+s13+$0x0] =	vst.idx.msk vm11, v4  }
0x5a: {  	[tilespmem:v38+s13+$0x0] =	vst.idx.msk vm12, v4  }
0x5b: {  	v61 =	vmpcnt.ones.xlane vm8;
	[tilespmem:v40+s13+$0x0] =	vst.idx.msk vm6, v4  }
0x5c: {  	v47 =	vmpcnt.ones.xlane vm9;
	[tilespmem:v56+s13+$0x0] =	vst.idx.msk vm5, v4  }
0x5d: {  	s15 =	sadd.s32 $0x10, s15;
	v26 =	vadd.s32 v26, v61;
	v61 =	vmpcnt.ones.xlane vm7;
	v45 =	vmpcnt.ones.xlane vm4;
	[tilespmem:v60+s13+$0x0] =	vst.idx.msk vm2, v4  }
0x5e: {  	s16 =	sadd.s32 $0x10, s16;
	vm9 =	vlt.s32 v26, $0xC7;
	v44 =	vmpcnt.ones.xlane vm0;
	v28 =	vadd.s32 v28, v47;
	v38 =	vld [tilespmem:s15+$0x0]  }
0x5f: {  	vm0 =	vlt.s32 v27, $0x1A7;
	v3 =	vadd.s32 v3, v61;
	v29 =	vadd.s32 v29, v45;
	v40 =	vld [tilespmem:s16+$0x0]  }
0x60: {  	v31 =	vadd.s32 v31, v46;
	vm4 =	vlt.s32 v28, $0x287;
	vm14 =	vlt.s32 v3, $0x527  }
0x61: {  	v30 =	vadd.s32 v30, v44;
	vm3 =	vlt.s32 v29, $0x367;
	vm15 =	vlt.s32 v31, $0x607  }
0x62: {  	s18 =	smov.u32 s17;
	vm13 =	vlt.s32 v30, $0x447;
	v34 =	vnsel vm9, $0xC7, v26;
	v32 =	vnsel vm4, $0x287, v28  }
0x63: {  	v4 =	vor.u32 s18, v1;
	v62 =	vmin.f32 v38, v15;
	v63 =	vmin.f32 v38, v16  }
0x64: {  	v43 =	vmin.f32 v38, v18;
	v51 =	vmin.f32 v38, v12;
	v52 =	vmax.f32 v40, v5  }
0x65: {  	v53 =	vmin.f32 v38, v13;
	v54 =	vmin.f32 v38, v14;
	v55 =	vmax.f32 v40, v7  }
0x66: {  	v47 =	vmax.f32 v40, v6;
	v56 =	vmax.f32 v40, v11;
	v49 =	vsub.f32 v38, v40  }
0x67: {  	v57 =	vmax.f32 v40, v9;
	v39 =	vsub.f32 v51, v52;
	v44 =	vsub.f32 v54, v55  }
0x68: {  	v50 =	vmax.f32 v40, v8;
	v45 =	vsub.f32 v53, v47;
	v42 =	vsub.f32 v63, v57  }
0x69: {  	v38 =	vmin.f32 v38, v17;
	v41 =	vsub.f32 v62, v50;
	v46 =	vsub.f32 v43, v56  }
0x6a: {  	v58 =	vmax.f32 v40, v10;
	v59 =	vadd.f32 v49, v19;
	v40 =	vadd.f32 v49, v21  }
0x6b: {  	p0 =	sne.s32 s17, $0x4E10;
	v60 =	vadd.f32 v49, v20;
	v63 =	vadd.f32 v49, v24;
	v48 =	vmul.f32 $3.000000000e+00, v39  }
.Ltmp1:
0x6c: {  	v39 =	vmul.f32 $3.000000000e+00, v44;
	v45 =	vmul.f32 $3.000000000e+00, v45;
	v44 =	vsub.f32 v38, v58;
	(pc) =	sbr.rel @p0 .LBB2_4-.Ltmp1, $4  }
0x6d: {  	v41 =	vmul.f32 $3.000000000e+00, v41;
	v38 =	vadd.f32 v49, v25;
	vm8 =	vgt.f32 v48, v59  }
0x6e: {  	v35 =	vmovc v27;
	v33 =	vmovc v31;
	v43 =	vmul.f32 $3.000000000e+00, v42;
	v61 =	vmul.f32 $3.000000000e+00, v44;
	vm5 =	vmand vm9, vm8  }
0x6f: {  	v36 =	vmovc v30;
	v37 =	vmovc v29;
	v42 =	vmul.f32 $3.000000000e+00, v46;
	v44 =	vadd.f32 v49, v23;
	v62 =	vsel vm5, $0x1, v2  }
0x70: {  	s17 =	sadd.s32 $0x10, s17;
	vm9 =	vgt.f32 v45, v60;
	v45 =	vadd.f32 v49, v22;
	vm7 =	vgt.f32 v61, v63;
	(xrf0) =	vadd.scan.msk.s32 $0xffff, v62  }
0x71: {  	vm8 =	vmand vm0, vm9;
	vm11 =	vgt.f32 v39, v40  }
0x72: {  	v5 =	vsel vm8, $0x1, v2;
	vm4 =	vmand vm4, vm11;
	vm12 =	vgt.f32 v41, v45  }
0x73: {  	vm11 =	vgt.f32 v43, v44;
	v6 =	vsel vm4, $0x1, v2;
	vm6 =	vmand vm3, vm12;
	(xrf0) =	vadd.scan.msk.s32 $0xffff, v5  }
0x74: {  	vm10 =	vmand vm13, vm11;
	v53 =	vsel vm6, $0x1, v2;
	(xrf0) =	vadd.scan.msk.s32 $0xffff, v6  }
0x75: {  	vm1 =	vmand vm14, vm7;
	vm12 =	vgt.f32 v42, v38;
	v54 =	vsel vm10, $0x1, v2;
	(xrf0) =	vadd.scan.msk.s32 $0xffff, v53  }
0x76: {  	vm2 =	vmmov vm0;
	v55 =	vsel vm1, $0x1, v2;
	vm0 =	vmand vm15, vm12;
	(xrf0) =	vadd.scan.msk.s32 $0xffff, v54  }
0x77: {  	v56 =	vsel vm0, $0x1, v2;
	(xrf0) =	vadd.scan.msk.s32 $0xffff, v55  }
0x78: {  	v57, _, _ =	vpop (xrf0);
	(xrf0) =	vadd.scan.msk.s32 $0xffff, v56  }
0x79: {  	v58 =	vnsel vm2, $0x1A7, v35;
	v5 =	vadd.s32 v34, v57;
	v7, _, _ =	vpop (xrf0)  }
0x7a: {  	v6 =	vadd.s32 v58, v7;
	v59, _, _ =	vpop (xrf0)  }
0x7b: {  	v8 =	vnsel vm3, $0x367, v37;
	v7 =	vadd.s32 v32, v59;
	v9, _, _ =	vpop (xrf0)  }
0x7c: {  	v60 =	vnsel vm13, $0x447, v36;
	v8 =	vadd.s32 v8, v9;
	v10, _, _ =	vpop (xrf0)  }
0x7d: {  	v3 =	vnsel vm14, $0x527, v3;
	v9 =	vadd.s32 v60, v10;
	v61, _, _ =	vpop (xrf0)  }
0x7e: {  	v62 =	vnsel vm15, $0x607, v33;
	[tilespmem:v5+s13+$0x0] =	vst.idx.msk vm5, v4;
	v3 =	vadd.s32 v3, v61;
	v63, _, _ =	vpop (xrf0)  }
0x7f: {  	[tilespmem:v6+s13+$0x0] =	vst.idx.msk vm8, v4;
	v5 =	vadd.s32 v62, v63  }
0x80: {  	[tilespmem:v7+s13+$0x0] =	vst.idx.msk vm4, v4  }
0x81: {  	[tilespmem:v8+s13+$0x0] =	vst.idx.msk vm6, v4  }
0x82: {  	s14 =	sadd.s32 $0x1, s14;
	[tilespmem:v9+s13+$0x0] =	vst.idx.msk vm10, v4  }
0x83: {  	p0 =	sne.s32 s14, s8;
	[tilespmem:v3+s13+$0x0] =	vst.idx.msk vm1, v4  }
.Ltmp2:
0x84: {  	[tilespmem:v5+s13+$0x0] =	vst.idx.msk vm0, v4;
	(pc) =	sbr.rel @p0 .LBB2_1-.Ltmp2, $4  }
0x85: {  	[hbm4b:s7+s2] =	stream.linear.scatter [tilespmem:s13], [sflag:$0x1], $0x620, $0x38;
	[tilespmem:$0xA480] =	vst v63  }
0x86: {  	_ =	swait.ge [sflag:s9], $0x620  }
0x87: {  	[sflag:s9] =	ssyncset.done $0x0  }
0x88: {  	[sflag:s9] =	ssyncadd.s32 $0xFFFFF9E0  }
0x89: {  	_ =	sfence.sel $0x180000  }
0x8a: {  	[bflag:$0x0] =	sbarrier.arrive $0xFFFF  }
0x8b: {  	p0 =	sne.s32 s1, $0x0;
	_ =	strace $0x90000047  }
0x8c: {  	s0 =	sadd.s32 @!p0 $0x100000, s0;
	[bflag:$0x2] =	sbarrier.arrive $0xFFFF  }
0x8d: {  	[sflag:s0] =	ssyncadd.tile.s32 @!p0 $0x1;
	_ =	shalt  }
.Lfunc_end2:
_tile_overlayer_lowered:
.L_overlay_start_2:
0x8e: {  	(tag) =	ssettag $0x2  }
0x8f: {  	s0 =	rddreg [dreg:$0x0];
	s2 =	stileid.u32  }
0x90: {  	s1 =	rddreg [dreg:$0x1];
	p0 =	sne.s32 s2, $0x0  }
0x91: {  	s3 =	rddreg [dreg:$0x2];
	[bflag:$0x3] =	sbarrier.arrive $0xFFFF;
	s2 =	simm.s32 @!p0 $0x1C01  }
0x92: {  	[timem:s3], [sflag:s2] =	dma.local @!p0 [hbm:s0], s1  }
0x93: {  	s0 =	simm.s32 @!p0 $0x1  }
0x94: {  	_ =	swait.ge @!p0 [sflag:s0], s1  }
0x95: {  	s1 =	ssub.s32 @!p0 $0x0, s1;
	[sflag:s0] =	ssyncset.done @!p0 $0x0  }
0x96: {  	[sflag:s0] =	ssyncadd.s32 @!p0 s1  }
0x97: {  	[bflag:$0x3] =	sbarrier.arrive $0xFFFF  }
0x98: {  	_ =	shalt  }

// kernel: kernel.9.cloned.1.call-start
scs
__scs_entry_jumppad:
0x0: {  	(pc) =	sbr.rel $0x88, $3  }
0x1: {  	(tag) =	ssettag $0x0;
	lr =	simm.s32 $0x1  }
0x2: {  	[smem:$0x3F9E] =	sst lr;
	_ =	strace $0xD0000000  }
0x3: {  	_ = 	snop  }
0x4: {  	_ = 	snop  }
0x5: {  	_ = 	snop  }
0x6: {  	_ = 	snop  }
0x7: {  	_ = 	snop  }
__scs_overlays_trampoline_lowered:
0x8: {  	[smem:$0x3FAD] =	sst s0  }
0x9: {  	[smem:$0x3FAE] =	sst s1  }
0xa: {  	[smem:$0x3FAF] =	sst s2  }
0xb: {  	[smem:$0x3FB0] =	sst s3  }
0xc: {  	[smem:$0x3FB1] =	sst s4  }
0xd: {  	[smem:$0x3FB2] =	sst s5  }
0xe: {  	[smem:$0x3FB3] =	sst s6  }
0xf: {  	[smem:$0x3FB4] =	sst s7  }
0x10: {  	[smem:$0x3FB5] =	sst s8  }
0x11: {  	[smem:$0x3FB6] =	sst s9;
	s0 =	simm.s32 @!p0 $0x0  }
0x12: {  	s1 =	sld [smem:$0x3F9C];
	s0 =	simm.s32 @p0 $0x1  }
0x13: {  	[smem:$0x3FB7] =	sst s0;
	s0 =	simm.s32 @!p1 $0x0  }
0x14: {  	s2 =	sld [smem:$0x3F9B];
	s0 =	simm.s32 @p1 $0x1  }
0x15: {  	[smem:$0x3FB8] =	sst s0;
	s0 =	simm.s32 @!p2 $0x0  }
0x16: {  	s3 =	sld [smem:$0x3FDB];
	s0 =	simm.s32 @p2 $0x1  }
0x17: {  	s4 =	simm.s32 $0x1BF5;
	[smem:$0x3FBA] =	sst s0  }
0x18: {  	s0 =	sld [smem:$0x3F9D];
	_ =	swait.ge [sflag:s4], $0x0  }
0x19: {  	s7 =	sld [smem:$0x3F9E]  }
0x1a: {  	s8 =	sadd.s32 $0xFFFFE003, lr  }
0x1b: {  	s9 =	sadd.s32 $0xFFFFFEF7, lr;
	s5 =	simm.s32 $0xFFFFFFFF;
	p2 =	slt.u32 s8, $0xFFFFF086  }
0x1c: {  	p1 =	slt.u32 s9, $0xF7A;
	s5 =	simm.s32 @!p2 $0x0  }
0x1d: {  	s5 =	simm.s32 @p1 $0x1;
	p0 =	seq.s32 s7, s2  }
0x1e: {  	s7 =	smul.u32 @!p0 $0xF7A, s2;
	p2 =	seq.s32 @!p0 s5, $0x0  }
0x1f: {  	s9 =	smul.u32 $0xF7A, s1;
	s8 =	simm.s32 @!p0 $0x1BF5;
	p2 =	por !p2, p0  }
0x20: {  	[sflag:s8] =	ssyncset.s32 @!p0 $0xFFFFF086;
	s6 =	sadd.s32 @!p0 s3, s7;
	s7 =	simm.s32 @!p0 $0x108  }
0x21: {  	s3 =	sadd.s32 s3, s9;
	s6 =	sadd.s32 @!p0 $0x88, s6;
	s7 =	simm.s32 @p2 $0x1082  }
0x22: {  	[simem:s7], [sflag:s8] =	dma.local @!p0 [hbm:s6], $0xF7A  }
0x23: {  	s9 =	sor.u32 $0xD0000000, s2;
	s6 =	simm.s32 $0x108;
	_ =	swait.ge @!p0 [sflag:s8], $0x0  }
0x24: {  	s3 =	sadd.s32 $0x88, s3;
	s6 =	simm.s32 @!p1 $0x1082;
	[sflag:s4] =	ssyncset.s32 $0xFFFFF086  }
0x25: {  	[simem:s6], [sflag:s4] =	dma.local [hbm:s3], $0xF7A  }
0x26: {  	[smem:$0x3F9E] =	sst s1;
	(tag) =	ssettag s2;
	_ =	strace s9  }
0x27: {  	s1 =	sld [smem:$0x3FAE]  }
0x28: {  	s2 =	sld [smem:$0x3FAF]  }
0x29: {  	s4 =	sld [smem:$0x3FB1]  }
0x2a: {  	p0 =	seq.s32 s5, $0x0;
	s5 =	sld [smem:$0x3FB2]  }
0x2b: {  	s6 =	sld [smem:$0x3FB3]  }
0x2c: {  	s7 =	sld [smem:$0x3FB4]  }
0x2d: {  	s3 =	simm.s32 $0x108;
	s8 =	sld [smem:$0x3FB5]  }
0x2e: {  	s3 =	simm.s32 @!p0 $0x1082;
	s9 =	sld [smem:$0x3FB6]  }
0x2f: {  	lr =	sadd.s32 s0, s3;
	s0 =	sld [smem:$0x3FAD]  }
0x30: {  	s3 =	sld [smem:$0x3FB0]  }
0x31: {  	[smem:$0x3FB9] =	sst s10  }
0x32: {  	s10 =	sld [smem:$0x3FB7];
	_ =	sdelay $0x3  }
0x33: {  	p0 =	seq.s32 s10, $0x1;
	s10 =	sld [smem:$0x3FB9];
	_ =	sdelay $0x3  }
0x34: {  	[smem:$0x3FB9] =	sst s10  }
0x35: {  	s10 =	sld [smem:$0x3FB8];
	_ =	sdelay $0x3  }
0x36: {  	p1 =	seq.s32 s10, $0x1;
	s10 =	sld [smem:$0x3FB9];
	_ =	sdelay $0x3  }
0x37: {  	[smem:$0x3FB9] =	sst s10  }
0x38: {  	s10 =	sld [smem:$0x3FBA]  }
0x39: {  	_ = 	snop;
	(pc) =	sbr.ind lr, $3  }
0x3a: {  	_ = 	snop  }
0x3b: {  	_ = 	snop  }
0x3c: {  	p2 =	seq.s32 s10, $0x1;
	s10 =	sld [smem:$0x3FB9]  }
0x3d: {  	_ =	shalt  }
0x3e: {  	_ =	shalt  }
0x3f: {  	_ =	shalt  }
0x40: {  	_ =	shalt  }
0x41: {  	_ =	shalt  }
0x42: {  	_ =	shalt  }
0x43: {  	_ =	shalt  }
0x44: {  	_ =	shalt  }
0x45: {  	_ =	shalt  }
0x46: {  	_ =	shalt  }
0x47: {  	_ =	shalt  }
0x48: {  	_ =	shalt  }
0x49: {  	_ =	shalt  }
0x4a: {  	_ =	shalt  }
0x4b: {  	_ =	shalt  }
0x4c: {  	_ =	shalt  }
0x4d: {  	_ =	shalt  }
0x4e: {  	_ =	shalt  }
0x4f: {  	_ =	shalt  }
0x50: {  	_ =	shalt  }
0x51: {  	_ =	shalt  }
0x52: {  	_ =	shalt  }
0x53: {  	_ =	shalt  }
0x54: {  	_ =	shalt  }
0x55: {  	_ =	shalt  }
0x56: {  	_ =	shalt  }
0x57: {  	_ =	shalt  }
0x58: {  	_ =	shalt  }
0x59: {  	_ =	shalt  }
0x5a: {  	_ =	shalt  }
0x5b: {  	_ =	shalt  }
0x5c: {  	_ =	shalt  }
0x5d: {  	_ =	shalt  }
0x5e: {  	_ =	shalt  }
0x5f: {  	_ =	shalt  }
0x60: {  	_ =	shalt  }
0x61: {  	_ =	shalt  }
0x62: {  	_ =	shalt  }
0x63: {  	_ =	shalt  }
0x64: {  	_ =	shalt  }
0x65: {  	_ =	shalt  }
0x66: {  	_ =	shalt  }
0x67: {  	_ =	shalt  }
0x68: {  	_ =	shalt  }
0x69: {  	_ =	shalt  }
0x6a: {  	_ =	shalt  }
0x6b: {  	_ =	shalt  }
0x6c: {  	_ =	shalt  }
0x6d: {  	_ =	shalt  }
0x6e: {  	_ =	shalt  }
0x6f: {  	_ =	shalt  }
0x70: {  	_ =	shalt  }
0x71: {  	_ =	shalt  }
0x72: {  	_ =	shalt  }
0x73: {  	_ =	shalt  }
0x74: {  	_ =	shalt  }
0x75: {  	_ =	shalt  }
0x76: {  	_ =	shalt  }
0x77: {  	_ =	shalt  }
0x78: {  	_ =	shalt  }
0x79: {  	_ =	shalt  }
0x7a: {  	_ =	shalt  }
0x7b: {  	_ =	shalt  }
0x7c: {  	_ =	shalt  }
0x7d: {  	_ =	shalt  }
0x7e: {  	_ =	shalt  }
0x7f: {  	_ =	shalt  }
0x80: {  	_ =	shalt  }
0x81: {  	_ =	shalt  }
0x82: {  	_ =	shalt  }
0x83: {  	_ =	shalt  }
0x84: {  	_ =	shalt  }
0x85: {  	_ =	shalt  }
0x86: {  	_ =	shalt  }
0x87: {  	_ =	shalt  }
.Lfunc_end0:
.L_simem_size_0:
called_computation.1_lowered:
.L_overlay_start_0:
0x88: {  	s0 =	sld [smem:$0x3FD9]  }
0x89: {  	s1 =	sld [smem:$0x3FFE];
	_ =	sdelay $0x3  }
0x8a: {  	s0 =	sadd.s32 s1, s0  }
0x8b: {  	[smem:$0x3FC5] =	sst s0  }
0x8c: {  	_ = 	snop  }
0x8d: {  	s0 =	sld [smem:$0x3FC9];
	(tm) =	ssettm $0x1  }
0x8e: {  	s16 =	sld [smem:$0x3FFB];
	_ =	sdelay $0x3  }
0x8f: {  	_ =	strace s16  }
0x90: {  	s1 =	sld [smem:$0x3FFC];
	_ =	sdelay $0x3  }
0x91: {  	_ =	strace s1  }
0x92: {  	s1 =	sld [smem:$0x3FFD];
	_ =	sdelay $0x3  }
0x93: {  	_ =	strace s1  }
0x94: {  	_ =	strace $0x8FFFFFFF  }
0x95: {  	s17 =	sld [smem:$0x3FDB];
	_ =	sdelay $0x1  }
0x96: {  	s2 =	simm.s32 $_scs_section_size  }
0x97: {  	s3 =	simm.s32 $_size__tile_overlayer_lowered;
	s4 =	simm.s32 $_tile_overlayer_lowered  }
0x98: {  	s20 =	simm.s32 $0x1BFF;
	s19 =	sshll.u32 s4, $0x1;
	s1 =	sadd.s32 s2, s17  }
0x99: {  	s5 =	simm.s32 $0x0;
	s18 =	sshll.u32 s3, $0x1;
	s3 =	sadd.s32 s19, s1  }
0x9a: {  	[timem:s5], [sflag:s20] =	dma.local [hbm:s3], s18  }
0x9b: {  	_ =	swait.ge [sflag:s20], s18  }
0x9c: {  	s2 =	ssub.s32 $0x0, s18;
	[sflag:s20] =	ssyncset.done $0x0  }
0x9d: {  	[sflag:s20] =	ssyncadd.s32 s2;
	_ =	sdelay $0x1  }
0x9e: {  	s21 =	simm.s32 $0x1B8B  }
0x9f: {  	_ =	swait.ge [sflag:s21], $0x1  }
0xa0: {  	[sflag:s21] =	ssyncset.done $0x0  }
0xa1: {  	s23 =	simm.s32 $0x1B8E;
	s22 =	sld [smem:$0x3FFE];
	[sflag:s21] =	ssyncadd.s32 $0xFFFFFFFF  }
0xa2: {  	s24 =	simm.s32 $execute0_lowered;
	[smem:$0x3FD2] =	sst s23  }
0xa3: {  	s3 =	sshll.u32 s24, $0x1;
	_ =	strace $0x80000049;
	[dreg:$0x1] =	wrdreg $0xFFFFFFFF  }
0xa4: {  	s25 =	simm.s32 $_size_execute0_lowered;
	s1 =	sadd.s32 s1, s3;
	[dreg:$0x0] =	wrdreg $0x0  }
0xa5: {  	s3 =	sshll.u32 s25, $0x1;
	[dreg:$0x2] =	wrdreg s1  }
0xa6: {  	[dreg:$0x3] =	wrdreg s3  }
0xa7: {  	[dreg:$0x4] =	wrdreg $0xC0  }
0xa8: {  	_ =	task [dreg:s5], $0x5FFFF  }
0xa9: {  	[dreg:$0x1] =	wrdreg $0xFFFFFFFF  }
0xaa: {  	[dreg:$0x0] =	wrdreg $0x60  }
0xab: {  	[dreg:$0x2] =	wrdreg s22  }
0xac: {  	[dreg:$0x3] =	wrdreg s0  }
0xad: {  	[dreg:$0x4] =	wrdreg $0x9  }
0xae: {  	_ =	task.clear_ibuf [dreg:s5], $0x5FFFF;
	_ =	strace $0x90000049  }
0xaf: {  	s26 =	simm.s32 $0x9;
	_ =	strace $0x8000004B  }
0xb0: {  	_ =	swait.ge [sflag:s26], $0x1  }
0xb1: {  	[sflag:s26] =	ssyncadd.s32 $0xFFFFFFFF  }
0xb2: {  	_ =	strace $0x9000004B  }
0xb3: {  	_ =	sfence  }
0xb4: {  	s28 =	sld [smem:$0x0];
	_ =	sdelay $0x1  }
0xb5: {  	s29 =	srdreg.scid  }
0xb6: {  	s30 =	sshll.u32 s29, $0xD;
	s31 =	sshrl.u32 s29, $0x2  }
0xb7: {  	s2 =	sand.u32 $0x4000, s30;
	s1 =	sand.u32 $0x1, s29;
	s0 =	sadd.s32 s31, s28  }
0xb8: {  	s1 =	sor.u32 s2, s1;
	s0 =	sshll.u32 s0, $0x11  }
0xb9: {  	s0 =	sor.u32 s0, s1  }
0xba: {  	s0 =	sadd.s32 $0x8F2B, s0  }
0xbb: {  	[sflag:s0] =	ssyncadd.remote.s32 $0x1  }
0xbc: {  	_ =	sfence.sel $0xFFFF  }
0xbd: {  	[dreg:$0x0] =	wrdreg $0xFFFFFFFF;
	(pc) =	sbr.abs _section_cstart, $3  }
0xbe: {  	[dreg:$0x1] =	wrdreg $0xFFFFFFFF  }
0xbf: {  	_ =	task.clear_ibuf [dreg:s5], $0x2FFFF;
	_ =	strace $0x9FFFFFFF  }
0xc0: {  	(tm) =	ssettm $0x7FFFFFFF  }
0xc1: {  	_ =	shalt  }
tec
execute0_lowered:
.L_overlay_start_1:
0x0: {  	(tag) =	ssettag $0x1  }
0x1: {  	s3 =	stileid.u32  }
0x2: {  	p0 =	sne.s32 s3, $0x0  }
.Ltmp0:
0x3: {  	_ = 	snop;
	(pc) =	sbr.rel @p0 .LBB2_10-.Ltmp0, $4  }
0x4: {  	_ = 	snop  }
0x5: {  	s1 =	rddreg [dreg:$0x0]  }
0x6: {  	s2 =	rddreg [dreg:$0x1]  }
0x7: {  	s0 =	rddreg [dreg:$0x2];
	_ =	strace $0x8000004A  }
0x8: {  	s3 =	sadd.s32 $0x2800, s1;
	s4 =	simm.s32 $0x0;
	s31 =	simm.s32 $0x1  }
0x9: {  	[tilespmem:s4], [sflag:$0x1] =	stream.linear.gather [hbm4b:s3+s4], $0xC400, $0x38;
	[tilespmem:$0x17D00] =	vst v63  }
0xa: {  	_ =	swait.ge [sflag:s31], $0xC400  }
0xb: {  	[sflag:s31] =	ssyncset.done $0x0  }
0xc: {  	s5 =	simm.s32 $0xC400;
	[sflag:s31] =	ssyncadd.s32 $0xFFFF3C00  }
0xd: {  	[tilespmem:s5], [sflag:$0x1] =	stream.linear.gather [hbm4b:s2+s4], $0x4E80, $0x38;
	[tilespmem:$0x17D00] =	vst v63  }
0xe: {  	_ =	swait.ge [sflag:s31], $0x4E80  }
0xf: {  	s3 =	simm.s32 $0x40;
	s2 =	sadd.s32 $0x1000, s1;
	[sflag:s31] =	ssyncset.done $0x0  }
0x10: {  	v0 =	vimm.s32 $0x0;
	s1 =	sadd.s32 $0x1200, s1;
	s4 =	simm.s32 $0x0;
	[sflag:s31] =	ssyncadd.s32 $0xFFFFB180  }
.LBB2_2:
0x11: {  	p1 =	sne.s32 s3, $0x13880;
	[tilespmem:s4+$0x11280] =	vst v0;
	s4 =	smov.u32 s3;
	s3 =	sadd.s32 $0x40, s3  }
.Ltmp1:
0x12: {  	(pc) =	sbr.rel @p1 .LBB2_2-.Ltmp1, $2  }
0x13: {  	_ =	sdelay $0x2  }
0x14: {  	s4 =	sshra.s32 s4, $0x2  }
0x15: {  	[tilespmem:s4+$0x11280] =	vst v0;
	v1 =	vimm.s32 $0xFFFFFFFF  }
0x16: {  	v0 =	vimm.f32 $0.0e+00;
	[tilespmem:$0x16D80] =	vst v1  }
0x17: {  	[tilespmem:$0x17B80] =	vst v0  }
0x18: {  	[tilespmem:$0x16D90] =	vst v1  }
0x19: {  	[tilespmem:$0x17B90] =	vst v0  }
0x1a: {  	[tilespmem:$0x16DA0] =	vst v1  }
0x1b: {  	[tilespmem:$0x17BA0] =	vst v0  }
0x1c: {  	[tilespmem:$0x16DB0] =	vst v1  }
0x1d: {  	[tilespmem:$0x17BB0] =	vst v0  }
0x1e: {  	[tilespmem:$0x16DC0] =	vst v1  }
0x1f: {  	[tilespmem:$0x17BC0] =	vst v0  }
0x20: {  	[tilespmem:$0x16DD0] =	vst v1  }
0x21: {  	[tilespmem:$0x17BD0] =	vst v0  }
0x22: {  	[tilespmem:$0x16DE0] =	vst v1  }
0x23: {  	[tilespmem:$0x17BE0] =	vst v0  }
0x24: {  	[tilespmem:$0x16DF0] =	vst v1  }
0x25: {  	[tilespmem:$0x17BF0] =	vst v0  }
0x26: {  	[tilespmem:$0x16E00] =	vst v1  }
0x27: {  	[tilespmem:$0x17C00] =	vst v0  }
0x28: {  	[tilespmem:$0x16E10] =	vst v1  }
0x29: {  	[tilespmem:$0x17C10] =	vst v0  }
0x2a: {  	[tilespmem:$0x16E20] =	vst v1  }
0x2b: {  	[tilespmem:$0x17C20] =	vst v0  }
0x2c: {  	[tilespmem:$0x16E30] =	vst v1  }
0x2d: {  	[tilespmem:$0x17C30] =	vst v0  }
0x2e: {  	[tilespmem:$0x16E40] =	vst v1  }
0x2f: {  	[tilespmem:$0x17C40] =	vst v0  }
0x30: {  	[tilespmem:$0x16E50] =	vst v1  }
0x31: {  	[tilespmem:$0x17C50] =	vst v0  }
0x32: {  	[tilespmem:$0x16E60] =	vst v1  }
0x33: {  	[tilespmem:$0x17C60] =	vst v0  }
0x34: {  	[tilespmem:$0x16E70] =	vst v1  }
0x35: {  	[tilespmem:$0x17C70] =	vst v0  }
0x36: {  	[tilespmem:$0x16E80] =	vst v1  }
0x37: {  	[tilespmem:$0x17C80] =	vst v0  }
0x38: {  	[tilespmem:$0x16E90] =	vst v1  }
0x39: {  	[tilespmem:$0x17C90] =	vst v0  }
0x3a: {  	[tilespmem:$0x16EA0] =	vst v1  }
0x3b: {  	[tilespmem:$0x17CA0] =	vst v0  }
0x3c: {  	[tilespmem:$0x16EB0] =	vst v1  }
0x3d: {  	[tilespmem:$0x17CB0] =	vst v0  }
0x3e: {  	[tilespmem:$0x16EC0] =	vst v1  }
0x3f: {  	[tilespmem:$0x17CC0] =	vst v0  }
0x40: {  	[tilespmem:$0x16ED0] =	vst v1  }
.Ltmp2:
0x41: {  	[tilespmem:$0x17CD0] =	vst v0;
	(pc) =	sbr.rel .LBB2_4-.Ltmp2, $4  }
0x42: {  	[tilespmem:$0x16EE0] =	vst v1  }
0x43: {  	[tilespmem:$0x17CE0] =	vst v0  }
0x44: {  	s3 =	simm.s32 $0x0;
	[tilespmem:$0x16EF0] =	vst v1  }
0x45: {  	s4 =	simm.s32 $0x11280;
	vm0 =	vmmov $0x1;
	v2 =	vimm.s32 $0x1;
	s5 =	simm.s32 $0xC400;
	s6 =	simm.s32 $0x0;
	[tilespmem:$0x17CF0] =	vst v0;
	v1 =	vimm.s32 $0xF  }
.LBB2_8:
0x46: {  	vm1 =	vgt.s32 v3, $0xFFFFFFFF  }
0x47: {  	vm2 =	vgt.s32 v3, $0x0;
	vm3 =	vmand vm1, vm0  }
0x48: {  	v4 =	vnsel vm2, $0x0, v3;
	_ =	sdelay $0x4  }
0x49: {  	[tilespmem:v4+s4+$0x0] =	vst.idx.msk vm3, v2  }
0x4a: {  	s7 =	sshll.u32 s6, $0x4;
	s6 =	sadd.s32 $0x1, s6;
	v4 =	vld.idx.msk [tilespmem:v4+s5+$0x0], $0xffff  }
0x4b: {  	p1 =	sne.s32 s6, $0xC8  }
.Ltmp3:
0x4c: {  	_ = 	snop;
	(pc) =	sbr.rel @!p1 .LBB2_9-.Ltmp3, $3  }
0x4d: {  	_ =	sdelay $0x1  }
0x4e: {  	[tilespmem:s7+$0x16100] =	vst v3;
	v3 =	vnsel vm1, $0x0, v4  }
0x4f: {  	s3 =	sadd.s32 $0xE0, s3;
	[tilespmem:s7+$0x16F00] =	vst v3  }
.LBB2_4:
0x50: {  	s7 =	smul.u32 $0x380, s6;
	_ =	sdelay $0x1  }
0x51: {  	s7 =	sshra.s32 s7, $0x2  }
0x52: {  	v3 =	vld [tilespmem:s7+$0x0];
	_ =	sdelay $0x4  }
0x53: {  	vm1 =	vlt.s32 v3, $0x4E20  }
0x54: {  	v4 =	vnsel vm1, $0x4E20, v3;
	_ =	sdelay $0x4  }
0x55: {  	v4 =	vld.idx.msk [tilespmem:v4+s4+$0x0], $0xffff;
	_ =	sdelay $0x4  }
0x56: {  	vm2 =	veq.s32 v4, $0x0  }
0x57: {  	vm1 =	vmand vm1, vm2  }
0x58: {  	v4 =	vmctz.xlane vm1;
	_ =	sdelay $0x1  }
0x59: {  	vm1 =	vlt.s32 v4, $0xF  }
0x5a: {  	v5 =	vnsel vm1, $0xF, v4  }
0x5b: {  	v5 =	vperm.xlane v3, v5  }
0x5c: {  	vm1 =	vlt.s32 v4, $0x10;
	v4 =	vperm.xlane v3, v1  }
0x5d: {  	v3 =	vnsel vm1, $0xFFFFFFFF, v5  }
0x5e: {  	vm1 =	vlt.s32 v4, $0x4E20;
	vm2 =	vlt.s32 v3, $0x0  }
0x5f: {  	vm1 =	vmand vm2, vm1  }
0x60: {  	v4 =	vsel vm1, $0x3F800000, v0  }
0x61: {  	(xrf0) =	vmax.scan.msk.f32 $0xffff, v4;
	_ =	sdelay $0x5  }
0x62: {  	v4, _, _ =	vpop (xrf0)  }
0x63: {  	(v2sf) =	vpush v4, $0xF;
	_ =	sdelay $0xe  }
0x64: {  	s31 =	spop (v2sf)  }
0x65: {  	p1 =	sgt.f32 s31, $0.0e+00  }
.Ltmp4:
0x66: {  	_ = 	snop;
	(pc) =	sbr.rel @!p1 .LBB2_8-.Ltmp4, $1  }
0x67: {  	_ =	sdelay $0x3  }
0x68: {  	s7 =	sadd.s32 $0x10, s3  }
0x69: {  	v6 =	vld [tilespmem:s7+$0x0];
	_ =	sdelay $0x4  }
0x6a: {  	s30 =	sadd.s32 $0x20, s3;
	vm1 =	vlt.s32 v6, $0x4E20  }
0x6b: {  	v4 =	vld [tilespmem:s30+$0x0];
	v3 =	vnsel vm1, $0x4E20, v6;
	_ =	sdelay $0x4  }
0x6c: {  	s31 =	sadd.s32 $0x30, s3;
	vm2 =	vlt.s32 v4, $0x4E20;
	v5 =	vld.idx.msk [tilespmem:v3+s4+$0x0], $0xffff  }
0x6d: {  	v7 =	vnsel vm2, $0x4E20, v4;
	v3 =	vld [tilespmem:s31+$0x0];
	_ =	sdelay $0x2  }
0x6e: {  	vm1 =	vmmov vm1  }
0x6f: {  	vm1 =	vmmov vm1;
	vm3 =	veq.s32 v5, $0x0  }
0x70: {  	s8 =	sadd.s32 $0x40, s3;
	v9 =	vld.idx.msk [tilespmem:v7+s4+$0x0], $0xffff;
	vm1 =	vmand vm1, vm3;
	vm3 =	vlt.s32 v3, $0x4E20  }
0x71: {  	v5 =	vld [tilespmem:s8+$0x0];
	v10 =	vnsel vm3, $0x4E20, v3  }
0x72: {  	vm2 =	vmmov vm2;
	v8 =	vmctz.xlane vm1  }
0x73: {  	vm2 =	vmmov vm2  }
0x74: {  	s7 =	simm.s32 $0x140;
	v7 =	vimm.s32 $0xFFFFFFFF;
	vm1 =	vmmov vm3;
	vm3 =	vlt.s32 v8, $0xF  }
.LBB2_6:
0x75: {  	s8 =	sshra.s32 s7, $0x2;
	p1 =	sne.s32 s7, $0x300;
	s7 =	sadd.s32 $0x40, s7;
	v11 =	vnsel vm3, $0xF, v8  }
.Ltmp5:
0x76: {  	vm4 =	veq.s32 v9, $0x0;
	s8 =	sadd.s32 s8, s3;
	vm3 =	vlt.s32 v5, $0x4E20;
	v9 =	vld.idx.msk [tilespmem:v10+s4+$0x0], $0xffff;
	v11 =	vperm.xlane v6, v11;
	v6 =	vmovc v4;
	v4 =	vmovc v3;
	(pc) =	sbr.rel @p1 .LBB2_6-.Ltmp5, $4  }
0x77: {  	vm2 =	vmand vm2, vm4;
	vm4 =	vlt.s32 v8, $0x10;
	v3 =	vmovc v5;
	v10 =	vnsel vm3, $0x4E20, v5;
	v5 =	vld [tilespmem:s8+$0x0]  }
0x78: {  	v8 =	vmctz.xlane vm2;
	vm2 =	vlt.s32 v7, $0x0;
	v11 =	vnsel vm4, $0xFFFFFFFF, v11  }
0x79: {  	v7 =	vsel vm2, v11, v7;
	vm2 =	vmmov vm1;
	vm1 =	vmmov vm3  }
0x7a: {  	vm3 =	vlt.s32 v8, $0xF  }
0x7b: {  	_ = 	snop  }
0x7c: {  	vm4 =	vlt.s32 v5, $0x4E20  }
0x7d: {  	v11 =	vnsel vm4, $0x4E20, v5;
	_ =	sdelay $0x1  }
0x7e: {  	v10 =	vld.idx.msk [tilespmem:v10+s4+$0x0], $0xffff;
	_ =	sdelay $0x1  }
0x7f: {  	v12 =	vnsel vm3, $0xF, v8  }
0x80: {  	vm3 =	veq.s32 v9, $0x0;
	v6 =	vperm.xlane v6, v12;
	v57 =	vld.idx.msk [tilespmem:v11+s4+$0x0], $0xffff  }
0x81: {  	vm1 =	vmmov vm1;
	vm2 =	vmand vm2, vm3;
	vm3 =	vlt.s32 v8, $0x10  }
0x82: {  	v58 =	vmctz.xlane vm2;
	v6 =	vnsel vm3, $0xFFFFFFFF, v6;
	vm3 =	veq.s32 v10, $0x0  }
0x83: {  	vm1 =	vmand vm1, vm3  }
0x84: {  	vm4 =	vmmov vm4;
	vm2 =	vlt.s32 v58, $0xF;
	v60 =	vmctz.xlane vm1  }
0x85: {  	v59 =	vnsel vm2, $0xF, v58;
	vm1 =	vmmov vm4;
	vm2 =	veq.s32 v57, $0x0  }
0x86: {  	vm3 =	vlt.s32 v7, $0x0;
	vm15 =	vlt.s32 v60, $0xF;
	vm1 =	vmand vm1, vm2  }
0x87: {  	v4 =	vperm.xlane v4, v59;
	v62 =	vnsel vm15, $0xF, v60;
	v61 =	vmctz.xlane vm1  }
0x88: {  	v6 =	vsel vm3, v6, v7;
	v3 =	vperm.xlane v3, v62;
	vm2 =	vlt.s32 v58, $0x10  }
0x89: {  	v4 =	vnsel vm2, $0xFFFFFFFF, v4;
	vm1 =	vlt.s32 v6, $0x0;
	vm2 =	vlt.s32 v61, $0xF  }
.Ltmp6:
0x8a: {  	v4 =	vsel vm1, v4, v6;
	vm1 =	vlt.s32 v60, $0x10;
	v63 =	vnsel vm2, $0xF, v61;
	(pc) =	sbr.rel .LBB2_8-.Ltmp6, $4  }
0x8b: {  	v3 =	vnsel vm1, $0xFFFFFFFF, v3;
	vm1 =	vlt.s32 v4, $0x0;
	v5 =	vperm.xlane v5, v63  }
0x8c: {  	v3 =	vsel vm1, v3, v4;
	vm1 =	vlt.s32 v61, $0x10  }
0x8d: {  	v4 =	vnsel vm1, $0xFFFFFFFF, v5;
	vm1 =	vlt.s32 v3, $0x0  }
0x8e: {  	v3 =	vsel vm1, v4, v3  }
.LBB2_9:
0x8f: {  	s3 =	simm.s32 $0x0;
	s4 =	simm.s32 $0x16100;
	s30 =	simm.s32 $0x1  }
0x90: {  	[hbm4b:s2+s3] =	stream.linear.scatter [tilespmem:s4], [sflag:$0x1], $0xE00, $0x38;
	[tilespmem:$0x17D00] =	vst v63  }
0x91: {  	_ =	swait.ge [sflag:s30], $0xE00  }
0x92: {  	[sflag:s30] =	ssyncset.done $0x0  }
0x93: {  	s31 =	simm.s32 $0x16F00;
	[sflag:s30] =	ssyncadd.s32 $0xFFFFF200  }
0x94: {  	[hbm4b:s1+s3] =	stream.linear.scatter [tilespmem:s31], [sflag:$0x1], $0xE00, $0x38;
	[tilespmem:$0x17D00] =	vst v63  }
0x95: {  	_ =	swait.ge [sflag:s30], $0xE00  }
0x96: {  	[sflag:s30] =	ssyncset.done $0x0  }
0x97: {  	[sflag:s30] =	ssyncadd.s32 $0xFFFFF200  }
.LBB2_10:
0x98: {  	_ =	sfence.sel $0x180000  }
0x99: {  	[bflag:$0x0] =	sbarrier.arrive $0xFFFF  }
0x9a: {  	_ =	strace $0x9000004A  }
0x9b: {  	s0 =	sadd.s32 @!p0 $0x100000, s0;
	[bflag:$0x2] =	sbarrier.arrive $0xFFFF  }
0x9c: {  	[sflag:s0] =	ssyncadd.tile.s32 @!p0 $0x1;
	_ =	shalt  }
.Lfunc_end2:
_tile_overlayer_lowered:
.L_overlay_start_2:
0x9d: {  	(tag) =	ssettag $0x2  }
0x9e: {  	s0 =	rddreg [dreg:$0x0];
	s2 =	stileid.u32  }
0x9f: {  	s1 =	rddreg [dreg:$0x1];
	p0 =	sne.s32 s2, $0x0  }
0xa0: {  	s3 =	rddreg [dreg:$0x2];
	[bflag:$0x3] =	sbarrier.arrive $0xFFFF;
	s2 =	simm.s32 @!p0 $0x1C01  }
0xa1: {  	[timem:s3], [sflag:s2] =	dma.local @!p0 [hbm:s0], s1  }
0xa2: {  	s0 =	simm.s32 @!p0 $0x1  }
0xa3: {  	_ =	swait.ge @!p0 [sflag:s0], s1  }
0xa4: {  	s1 =	ssub.s32 @!p0 $0x0, s1;
	[sflag:s0] =	ssyncset.done @!p0 $0x0  }
0xa5: {  	[sflag:s0] =	ssyncadd.s32 @!p0 s1  }
0xa6: {  	[bflag:$0x3] =	sbarrier.arrive $0xFFFF  }
0xa7: {  	_ =	shalt  }

</sc_bundles>
